<compile_context>
chip_gen: v7x
topology: tpu7x:2x2x1
jax: 0.10.2.dev20260603
libtpu: 0.0.44.dev20260713+nightly
codegen_flags: <defaults>
</compile_context>

<pallas_src>
import functools

import jax
import jax.numpy as jnp
from jax import lax
from jax.experimental import pallas as pl
from jax.experimental.pallas import tpu as pltpu
from jax.experimental.pallas import tpu_sc as plsc

NUM_TOK = 4096 * 200
DIM = 128

_info = plsc.get_sparse_core_info()
_NC = _info.num_cores
_NS = _info.num_subcores
_NW = _NC * _NS

ROWS_PER_W = NUM_TOK // _NW
IDX_L = 128
IDX_ROWS = 8
CHUNK = IDX_L * IDX_ROWS
HALF = IDX_L
N_STAGES = IDX_ROWS
N_CHUNKS = ROWS_PER_W // CHUNK

_mesh = plsc.VectorSubcoreMesh(core_axis_name="c", subcore_axis_name="s")


@functools.partial(
    pl.kernel,
    mesh=_mesh,
    out_type=jax.ShapeDtypeStruct((NUM_TOK, DIM), jnp.float32),
    scratch_types=[
        pltpu.VMEM((2, IDX_ROWS, IDX_L), jnp.int32),
        pltpu.VMEM((4, HALF, DIM), jnp.float32),
        pltpu.VMEM((2, HALF, DIM), jnp.float32),
        pltpu.VMEM_SHARED((_NS, HALF, DIM), jnp.float32),
        pltpu.SemaphoreType.DMA,
        pltpu.SemaphoreType.DMA,
        pltpu.SemaphoreType.DMA,
        pltpu.SemaphoreType.DMA,
        pltpu.SemaphoreType.DMA,
        pltpu.SemaphoreType.DMA,
    ],
)
def _emb_lookup(ids_hbm, table_hbm, out_hbm, idx_v, rows_a, rows_b, shared_v,
                ga_sem, gb_sem, oa_sem, c_sem, d_sem, i_sem):
    wid = lax.axis_index("s") * _NC + lax.axis_index("c")
    sid = lax.axis_index("s")
    row0 = wid * ROWS_PER_W
    idx_row0 = row0 // IDX_L

    def wait_oa():
        pltpu.make_async_copy(
            rows_a.at[0], out_hbm.at[pl.ds(0, HALF)], oa_sem).wait()

    def wait_c():
        pltpu.make_async_copy(
            rows_b.at[0], shared_v.at[sid], c_sem).wait()

    def wait_d():
        pltpu.make_async_copy(
            shared_v.at[sid], out_hbm.at[pl.ds(0, HALF)], d_sem).wait()

    def gather_wait(sem):
        pltpu.make_async_copy(
            table_hbm.at[idx_v.at[(0, 0)]], rows_a.at[0], sem).wait()

    def fire_gather(islot, h, dst, sem):
        pltpu.async_copy(table_hbm.at[idx_v.at[(islot, h)]], dst, sem)

    pltpu.sync_copy(
        ids_hbm.at[pl.ds(pl.multiple_of(idx_row0, IDX_ROWS), IDX_ROWS)],
        idx_v.at[0])
    fire_gather(0, 0, rows_a.at[0], ga_sem)
    fire_gather(0, 1, rows_b.at[0], gb_sem)

    def chunk_body(i, _):
        islot = i % 2
        nslot = (i + 1) % 2
        @pl.when(i < N_CHUNKS - 1)
        def _():
            idx_off = pl.multiple_of(idx_row0 + (i + 1) * IDX_ROWS, IDX_ROWS)
            pltpu.async_copy(ids_hbm.at[pl.ds(idx_off, IDX_ROWS)],
                             idx_v.at[nslot], i_sem)

        for h in range(N_STAGES):
            k = h >> 1
            off = row0 + i * CHUNK + h * HALF
            if h % 2 == 0:
                if k == 3:
                    wait_oa()
                else:
                    @pl.when(i > 0)
                    def _():
                        wait_oa()
                nxt = rows_a.at[(k + 1) % 4]
                if h < N_STAGES - 2:
                    fire_gather(islot, h + 2, nxt, ga_sem)
                else:
                    @pl.when(i < N_CHUNKS - 1)
                    def _():
                        pltpu.make_async_copy(
                            ids_hbm.at[pl.ds(0, IDX_ROWS)], idx_v.at[nslot],
                            i_sem).wait()
                        fire_gather(nslot, 0, rows_a.at[0], ga_sem)
                gather_wait(ga_sem)
                pltpu.async_copy(rows_a.at[k], out_hbm.at[pl.ds(off, HALF)],
                                 oa_sem)
            else:
                nxt = rows_b.at[(k + 1) % 2]
                if h < N_STAGES - 2:
                    fire_gather(islot, h + 2, nxt, gb_sem)
                else:
                    @pl.when(i < N_CHUNKS - 1)
                    def _():
                        fire_gather(nslot, 1, rows_b.at[0], gb_sem)
                gather_wait(gb_sem)
                if k >= 1:
                    wait_d()
                else:
                    @pl.when(i > 0)
                    def _():
                        wait_d()
                pltpu.async_copy(rows_b.at[k % 2], shared_v.at[sid], c_sem)
                wait_c()
                pltpu.async_copy(shared_v.at[sid],
                                 out_hbm.at[pl.ds(off, HALF)], d_sem)
        return 0

    lax.fori_loop(0, N_CHUNKS, chunk_body, 0)
    wait_oa()
    wait_oa()
    wait_oa()
    wait_d()


def kernel(token_ids, embeddings):
    flat_ids = token_ids.reshape(NUM_TOK // IDX_L, IDX_L).astype(jnp.int32)
    out = _emb_lookup(flat_ids, embeddings)
    return out.reshape(token_ids.shape[0], token_ids.shape[1], DIM)

# --- scband reference (transcript-rebuilt; emitter-appended) ---
"""Pipeline reference for scband-embedding-16621523435730 (READ-ONLY COPY).

The authoritative reference and input builder live on the scoring server;
editing this copy changes nothing except your own understanding.
"""

import jax, jax.numpy as jnp
import numpy as np

NUM_EMBEDDINGS = 100000
EMBEDDING_DIM = 128

def setup_inputs(seed: int = 0) -> dict:
    key = jax.random.key(seed)
    k_idx, k_emb = jax.random.split(key)
    token_ids = jax.random.randint(k_idx, (4096, 200), 0, NUM_EMBEDDINGS, dtype=jnp.int64 if jax.config.jax_enable_x64 else jnp.int32)
    # trunc_normal_(mean=0, std=1, a=-3, b=3)
    embeddings = jax.random.truncated_normal(k_emb, -3.0, 3.0, (NUM_EMBEDDINGS, EMBEDDING_DIM), dtype=jnp.float32)
    return {"token_ids": token_ids, "embeddings": embeddings}

def reference(token_ids, embeddings):
    # Embedding.forward: self.embeddings[token_ids]
    return jnp.take(embeddings, token_ids, axis=0)

if __name__ == "__main__":
    import jax
    _d = setup_inputs()
    print(jax.jit(kernel)(*tuple(_d.values())))

</pallas_src>

<mosaic_0001>
#map = affine_map<(d0, d1) -> (0, 0)>
module attributes {stable_mosaic.version = 14 : i64} {
  func.func @_emb_lookup(%arg0: i32, %arg1: i32, %arg2: memref<6400x128xi32, #tpu.memory_space<hbm>>, %arg3: memref<100000x128xf32, #tpu.memory_space<hbm>>, %arg4: memref<819200x128xf32, #tpu.memory_space<hbm>>, %arg5: memref<2x8x128xi32, #tpu.memory_space<vmem>>, %arg6: memref<4x128x128xf32, #tpu.memory_space<vmem>>, %arg7: memref<2x128x128xf32, #tpu.memory_space<vmem>>, %arg8: memref<16x128x128xf32, #tpu.memory_space<vmem_shared>>, %arg9: memref<!tpu.dma_semaphore, #tpu.memory_space<semaphore_mem>>, %arg10: memref<!tpu.dma_semaphore, #tpu.memory_space<semaphore_mem>>, %arg11: memref<!tpu.dma_semaphore, #tpu.memory_space<semaphore_mem>>, %arg12: memref<!tpu.dma_semaphore, #tpu.memory_space<semaphore_mem>>, %arg13: memref<!tpu.dma_semaphore, #tpu.memory_space<semaphore_mem>>, %arg14: memref<!tpu.dma_semaphore, #tpu.memory_space<semaphore_mem>>) attributes {dimension_semantics = [#tpu.dimension_semantics<core_parallel>, #tpu.dimension_semantics<subcore_parallel>], iteration_bounds = array<i64: 2, 16>, scalar_prefetch = 0 : i64, scratch_operands = 10 : i64, tpu.core_type = #tpu.core_type<sc_vector_subcore>, window_params = [{transform_indices = #map}, {transform_indices = #map}, {transform_indices = #map}]} {
    %mul3A = arith.constant 2 : i32
    %mul3A_0 = arith.muli %arg1, %mul3A : i32
    %add3A = arith.addi %mul3A_0, %arg0 : i32
    %mul3A_1 = arith.constant 25600 : i32
    %mul3A_2 = arith.muli %add3A, %mul3A_1 : i32
    %jit3A = arith.constant 128 : i32
    %div3A = arith.divsi %mul3A_2, %jit3A : i32
    %sign3A = arith.constant 0 : i32
    %sign3A_3 = arith.cmpi sgt, %mul3A_2, %sign3A : i32
    %sign3A_4 = arith.extui %sign3A_3 : i1 to i32
    %sign3A_5 = arith.constant 0 : i32
    %sign3A_6 = arith.cmpi slt, %mul3A_2, %sign3A_5 : i32
    %sign3A_7 = arith.extui %sign3A_6 : i1 to i32
    %sign3A_8 = arith.subi %sign3A_4, %sign3A_7 : i32
    %sign3A_9 = arith.constant 0 : i32
    %sign3A_10 = arith.cmpi sgt, %jit3A, %sign3A_9 : i32
    %sign3A_11 = arith.extui %sign3A_10 : i1 to i32
    %sign3A_12 = arith.constant 0 : i32
    %sign3A_13 = arith.cmpi slt, %jit3A, %sign3A_12 : i32
    %sign3A_14 = arith.extui %sign3A_13 : i1 to i32
    %sign3A_15 = arith.subi %sign3A_11, %sign3A_14 : i32
    %ne3A = arith.cmpi ne, %sign3A_8, %sign3A_15 : i32
    %rem3A = arith.remsi %mul3A_2, %jit3A : i32
    %ne3A_16 = arith.constant 0 : i32
    %ne3A_17 = arith.cmpi ne, %rem3A, %ne3A_16 : i32
    %and3A = arith.andi %ne3A, %ne3A_17 : i1
    %sub3A = arith.constant 1 : i32
    %sub3A_18 = arith.subi %div3A, %sub3A : i32
    %select_n3A = arith.select %and3A, %sub3A_18, %div3A : i32
    %multiple_of3A = tpu.assume_multiple %select_n3A, 8 : i32
    %run_scoped3A = arith.constant 0 : i32
    "tpu.region"() ({
      %run_scoped3A_101 = tpu.sem_alloc : memref<!tpu.dma_semaphore, #tpu.memory_space<semaphore_mem>>
      %dma_start3A_102 = arith.constant 0 : i32
      %dma_start3A_103 = arith.constant 0 : i32
      %dma_start3A_104 = tpu.memref_slice %arg5[%run_scoped3A, %dma_start3A_102, %dma_start3A_103] : memref<2x8x128xi32, #tpu.memory_space<vmem>> -> memref<1x8x128xi32, #tpu.memory_space<vmem>>
      %dma_start3A_105 = tpu.memref_squeeze %dma_start3A_104 : memref<1x8x128xi32, #tpu.memory_space<vmem>> -> memref<8x128xi32, #tpu.memory_space<vmem>>
      %dma_start3A_106 = arith.constant 0 : i32
      %dma_start3A_107 = tpu.memref_slice %arg2[%multiple_of3A, %dma_start3A_106] : memref<6400x128xi32, #tpu.memory_space<hbm>> -> memref<8x128xi32, #tpu.memory_space<hbm>>
      %dma_start3A_108 = arith.constant 0 : i32
      %dma_start3A_109 = arith.constant 0 : i32
      %dma_start3A_110 = tpu.memref_slice %arg5[%run_scoped3A, %dma_start3A_108, %dma_start3A_109] : memref<2x8x128xi32, #tpu.memory_space<vmem>> -> memref<1x8x128xi32, #tpu.memory_space<vmem>>
      %dma_start3A_111 = tpu.memref_squeeze %dma_start3A_110 : memref<1x8x128xi32, #tpu.memory_space<vmem>> -> memref<8x128xi32, #tpu.memory_space<vmem>>
      %dma_start3A_112 = arith.constant 0 : i32
      %dma_start3A_113 = tpu.memref_slice %arg2[%multiple_of3A, %dma_start3A_112] : memref<6400x128xi32, #tpu.memory_space<hbm>> -> memref<8x128xi32, #tpu.memory_space<hbm>>
      tpu.enqueue_dma source(%dma_start3A_113 : memref<8x128xi32, #tpu.memory_space<hbm>>) target(%dma_start3A_111 : memref<8x128xi32, #tpu.memory_space<vmem>>) target_semaphore(%run_scoped3A_101 : memref<!tpu.dma_semaphore, #tpu.memory_space<semaphore_mem>>)
      %dma_wait3A_114 = arith.constant 0 : i32
      %dma_wait3A_115 = arith.constant 0 : i32
      %dma_wait3A_116 = tpu.memref_slice %arg5[%run_scoped3A, %dma_wait3A_114, %dma_wait3A_115] : memref<2x8x128xi32, #tpu.memory_space<vmem>> -> memref<1x8x128xi32, #tpu.memory_space<vmem>>
      %dma_wait3A_117 = tpu.memref_squeeze %dma_wait3A_116 : memref<1x8x128xi32, #tpu.memory_space<vmem>> -> memref<8x128xi32, #tpu.memory_space<vmem>>
      %dma_wait3A_118 = arith.constant 0 : i32
      %dma_wait3A_119 = tpu.memref_slice %arg2[%multiple_of3A, %dma_wait3A_118] : memref<6400x128xi32, #tpu.memory_space<hbm>> -> memref<8x128xi32, #tpu.memory_space<hbm>>
      %dma_wait3A_120 = arith.constant 0 : i32
      %dma_wait3A_121 = arith.constant 0 : i32
      %dma_wait3A_122 = tpu.memref_slice %arg5[%run_scoped3A, %dma_wait3A_120, %dma_wait3A_121] : memref<2x8x128xi32, #tpu.memory_space<vmem>> -> memref<1x8x128xi32, #tpu.memory_space<vmem>>
      %dma_wait3A_123 = tpu.memref_squeeze %dma_wait3A_122 : memref<1x8x128xi32, #tpu.memory_space<vmem>> -> memref<8x128xi32, #tpu.memory_space<vmem>>
      %dma_wait3A_124 = arith.constant 0 : i32
      %dma_wait3A_125 = tpu.memref_slice %arg2[%multiple_of3A, %dma_wait3A_124] : memref<6400x128xi32, #tpu.memory_space<hbm>> -> memref<8x128xi32, #tpu.memory_space<hbm>>
      tpu.wait_dma2 semaphore(%run_scoped3A_101 : memref<!tpu.dma_semaphore, #tpu.memory_space<semaphore_mem>>) src(%dma_wait3A_125 : memref<8x128xi32, #tpu.memory_space<hbm>>) dst(%dma_wait3A_123 : memref<8x128xi32, #tpu.memory_space<vmem>>)
      tpu.yield
    }) : () -> ()
    %dma_start3A = arith.constant 0 : i32
    %dma_start3A_19 = arith.constant 0 : i32
    %dma_start3A_20 = arith.constant 0 : i32
    %dma_start3A_21 = arith.constant 0 : i32
    %dma_start3A_22 = arith.constant 0 : i32
    %dma_start3A_23 = tpu.memref_slice %arg6[%dma_start3A_20, %dma_start3A_21, %dma_start3A_22] : memref<4x128x128xf32, #tpu.memory_space<vmem>> -> memref<1x128x128xf32, #tpu.memory_space<vmem>>
    %dma_start3A_24 = tpu.memref_squeeze %dma_start3A_23 : memref<1x128x128xf32, #tpu.memory_space<vmem>> -> memref<128x128xf32, #tpu.memory_space<vmem>>
    %dma_start3A_25 = arith.constant 0 : i32
    %dma_start3A_26 = tpu.memref_slice %arg5[%dma_start3A, %dma_start3A_19, %dma_start3A_25] : memref<2x8x128xi32, #tpu.memory_space<vmem>> -> memref<1x1x128xi32, #tpu.memory_space<vmem>>
    %dma_start3A_27 = tpu.memref_squeeze %dma_start3A_26 : memref<1x1x128xi32, #tpu.memory_space<vmem>> -> memref<128xi32, #tpu.memory_space<vmem>>
    %dma_start3A_28 = arith.constant 0 : i32
    %dma_start3A_29 = arith.constant 0 : i32
    %dma_start3A_30 = tpu.memref_slice %arg3[%dma_start3A_28, %dma_start3A_29] : memref<100000x128xf32, #tpu.memory_space<hbm>> -> memref<100000x128xf32, #tpu.memory_space<hbm>>
    tpu.enqueue_indirect_dma source(%dma_start3A_30 : memref<100000x128xf32, #tpu.memory_space<hbm>>) target(%dma_start3A_24 : memref<128x128xf32, #tpu.memory_space<vmem>>) offsets(%dma_start3A_27 : memref<128xi32, #tpu.memory_space<vmem>>) semaphore(%arg9 : memref<!tpu.dma_semaphore, #tpu.memory_space<semaphore_mem>>)
    %dma_start3A_31 = arith.constant 0 : i32
    %dma_start3A_32 = arith.constant 1 : i32
    %dma_start3A_33 = arith.constant 0 : i32
    %dma_start3A_34 = arith.constant 0 : i32
    %dma_start3A_35 = arith.constant 0 : i32
    %dma_start3A_36 = tpu.memref_slice %arg7[%dma_start3A_33, %dma_start3A_34, %dma_start3A_35] : memref<2x128x128xf32, #tpu.memory_space<vmem>> -> memref<1x128x128xf32, #tpu.memory_space<vmem>>
    %dma_start3A_37 = tpu.memref_squeeze %dma_start3A_36 : memref<1x128x128xf32, #tpu.memory_space<vmem>> -> memref<128x128xf32, #tpu.memory_space<vmem>>
    %dma_start3A_38 = arith.constant 0 : i32
    %dma_start3A_39 = tpu.memref_slice %arg5[%dma_start3A_31, %dma_start3A_32, %dma_start3A_38] : memref<2x8x128xi32, #tpu.memory_space<vmem>> -> memref<1x1x128xi32, #tpu.memory_space<vmem>>
    %dma_start3A_40 = tpu.memref_squeeze %dma_start3A_39 : memref<1x1x128xi32, #tpu.memory_space<vmem>> -> memref<128xi32, #tpu.memory_space<vmem>>
    %dma_start3A_41 = arith.constant 0 : i32
    %dma_start3A_42 = arith.constant 0 : i32
    %dma_start3A_43 = tpu.memref_slice %arg3[%dma_start3A_41, %dma_start3A_42] : memref<100000x128xf32, #tpu.memory_space<hbm>> -> memref<100000x128xf32, #tpu.memory_space<hbm>>
    tpu.enqueue_indirect_dma source(%dma_start3A_43 : memref<100000x128xf32, #tpu.memory_space<hbm>>) target(%dma_start3A_37 : memref<128x128xf32, #tpu.memory_space<vmem>>) offsets(%dma_start3A_40 : memref<128xi32, #tpu.memory_space<vmem>>) semaphore(%arg10 : memref<!tpu.dma_semaphore, #tpu.memory_space<semaphore_mem>>)
    %scan3A = arith.constant 0 : i32
    %scan3A_44 = arith.constant 0 : i32
    %scan3A_45 = arith.constant 25 : i32
    %scan3A_46 = arith.addi %scan3A_44, %scan3A_45 : i32
    %scan3A_47 = arith.constant 1 : i32
    %scan3A_48 = scf.for %scan3A_101 = %scan3A_44 to %scan3A_46 step %scan3A_47 iter_args(%scan3A_102 = %scan3A) -> (i32)  : i32 {
      %jit3A_103 = arith.constant 2 : i32
      %eq3A = arith.constant 0 : i32
      %eq3A_104 = arith.cmpi eq, %jit3A_103, %eq3A : i32
      %jit3A_105 = arith.constant 1 : i32
      %select_n3A_106 = arith.select %eq3A_104, %jit3A_105, %jit3A_103 : i32
      %rem3A_107 = arith.remsi %scan3A_101, %select_n3A_106 : i32
      %ne3A_108 = arith.constant 0 : i32
      %ne3A_109 = arith.cmpi ne, %rem3A_107, %ne3A_108 : i32
      %lt3A = arith.constant 0 : i32
      %lt3A_110 = arith.cmpi slt, %rem3A_107, %lt3A : i32
      %lt3A_111 = arith.constant 0 : i32
      %lt3A_112 = arith.cmpi slt, %select_n3A_106, %lt3A_111 : i32
      %ne3A_113 = arith.xori %lt3A_110, %lt3A_112 : i1
      %and3A_114 = arith.andi %ne3A_113, %ne3A_109 : i1
      %add3A_115 = arith.addi %rem3A_107, %select_n3A_106 : i32
      %select_n3A_116 = arith.select %and3A_114, %add3A_115, %rem3A_107 : i32
      %add3A_117 = arith.constant 1 : i32
      %add3A_118 = arith.addi %scan3A_101, %add3A_117 : i32
      %jit3A_119 = arith.constant 2 : i32
      %eq3A_120 = arith.constant 0 : i32
      %eq3A_121 = arith.cmpi eq, %jit3A_119, %eq3A_120 : i32
      %jit3A_122 = arith.constant 1 : i32
      %select_n3A_123 = arith.select %eq3A_121, %jit3A_122, %jit3A_119 : i32
      %rem3A_124 = arith.remsi %add3A_118, %select_n3A_123 : i32
      %ne3A_125 = arith.constant 0 : i32
      %ne3A_126 = arith.cmpi ne, %rem3A_124, %ne3A_125 : i32
      %lt3A_127 = arith.constant 0 : i32
      %lt3A_128 = arith.cmpi slt, %rem3A_124, %lt3A_127 : i32
      %lt3A_129 = arith.constant 0 : i32
      %lt3A_130 = arith.cmpi slt, %select_n3A_123, %lt3A_129 : i32
      %ne3A_131 = arith.xori %lt3A_128, %lt3A_130 : i1
      %and3A_132 = arith.andi %ne3A_131, %ne3A_126 : i1
      %add3A_133 = arith.addi %rem3A_124, %select_n3A_123 : i32
      %select_n3A_134 = arith.select %and3A_132, %add3A_133, %rem3A_124 : i32
      %lt3A_135 = arith.constant 24 : i32
      %lt3A_136 = arith.cmpi slt, %scan3A_101, %lt3A_135 : i32
      %convert_element_type3A = arith.extui %lt3A_136 : i1 to i32
      %cond3A = arith.constant 0 : i32
      %cond3A_137 = arith.cmpi ne, %convert_element_type3A, %cond3A : i32
      scf.if %cond3A_137 {
        %add3A_632 = arith.constant 1 : i32
        %add3A_633 = arith.addi %scan3A_101, %add3A_632 : i32
        %mul3A_634 = arith.constant 8 : i32
        %mul3A_635 = arith.muli %add3A_633, %mul3A_634 : i32
        %add3A_636 = arith.addi %select_n3A, %mul3A_635 : i32
        %multiple_of3A_637 = tpu.assume_multiple %add3A_636, 8 : i32
        %dma_start3A_638 = arith.constant 0 : i32
        %dma_start3A_639 = arith.constant 0 : i32
        %dma_start3A_640 = tpu.memref_slice %arg5[%select_n3A_134, %dma_start3A_638, %dma_start3A_639] : memref<2x8x128xi32, #tpu.memory_space<vmem>> -> memref<1x8x128xi32, #tpu.memory_space<vmem>>
        %dma_start3A_641 = tpu.memref_squeeze %dma_start3A_640 : memref<1x8x128xi32, #tpu.memory_space<vmem>> -> memref<8x128xi32, #tpu.memory_space<vmem>>
        %dma_start3A_642 = arith.constant 0 : i32
        %dma_start3A_643 = tpu.memref_slice %arg2[%multiple_of3A_637, %dma_start3A_642] : memref<6400x128xi32, #tpu.memory_space<hbm>> -> memref<8x128xi32, #tpu.memory_space<hbm>>
        %dma_start3A_644 = arith.constant 0 : i32
        %dma_start3A_645 = arith.constant 0 : i32
        %dma_start3A_646 = tpu.memref_slice %arg5[%select_n3A_134, %dma_start3A_644, %dma_start3A_645] : memref<2x8x128xi32, #tpu.memory_space<vmem>> -> memref<1x8x128xi32, #tpu.memory_space<vmem>>
        %dma_start3A_647 = tpu.memref_squeeze %dma_start3A_646 : memref<1x8x128xi32, #tpu.memory_space<vmem>> -> memref<8x128xi32, #tpu.memory_space<vmem>>
        %dma_start3A_648 = arith.constant 0 : i32
        %dma_start3A_649 = tpu.memref_slice %arg2[%multiple_of3A_637, %dma_start3A_648] : memref<6400x128xi32, #tpu.memory_space<hbm>> -> memref<8x128xi32, #tpu.memory_space<hbm>>
        tpu.enqueue_dma source(%dma_start3A_649 : memref<8x128xi32, #tpu.memory_space<hbm>>) target(%dma_start3A_647 : memref<8x128xi32, #tpu.memory_space<vmem>>) target_semaphore(%arg14 : memref<!tpu.dma_semaphore, #tpu.memory_space<semaphore_mem>>)
      } else {
      }
      %mul3A_138 = arith.constant 1024 : i32
      %mul3A_139 = arith.muli %scan3A_101, %mul3A_138 : i32
      %add3A_140 = arith.addi %mul3A_2, %mul3A_139 : i32
      %add3A_141 = arith.constant 0 : i32
      %add3A_142 = arith.addi %add3A_140, %add3A_141 : i32
      %gt3A = arith.constant 0 : i32
      %gt3A_143 = arith.cmpi sgt, %scan3A_101, %gt3A : i32
      %convert_element_type3A_144 = arith.extui %gt3A_143 : i1 to i32
      %cond3A_145 = arith.constant 0 : i32
      %cond3A_146 = arith.cmpi ne, %convert_element_type3A_144, %cond3A_145 : i32
      scf.if %cond3A_146 {
        %dma_wait3A_632 = arith.constant 0 : i32
        %dma_wait3A_633 = arith.constant 0 : i32
        %dma_wait3A_634 = arith.constant 0 : i32
        %dma_wait3A_635 = tpu.memref_slice %arg6[%dma_wait3A_632, %dma_wait3A_633, %dma_wait3A_634] : memref<4x128x128xf32, #tpu.memory_space<vmem>> -> memref<1x128x128xf32, #tpu.memory_space<vmem>>
        %dma_wait3A_636 = tpu.memref_squeeze %dma_wait3A_635 : memref<1x128x128xf32, #tpu.memory_space<vmem>> -> memref<128x128xf32, #tpu.memory_space<vmem>>
        %dma_wait3A_637 = arith.constant 0 : i32
        %dma_wait3A_638 = arith.constant 0 : i32
        %dma_wait3A_639 = tpu.memref_slice %arg4[%dma_wait3A_637, %dma_wait3A_638] : memref<819200x128xf32, #tpu.memory_space<hbm>> -> memref<128x128xf32, #tpu.memory_space<hbm>>
        %dma_wait3A_640 = arith.constant 0 : i32
        %dma_wait3A_641 = arith.constant 0 : i32
        %dma_wait3A_642 = tpu.memref_slice %arg4[%dma_wait3A_640, %dma_wait3A_641] : memref<819200x128xf32, #tpu.memory_space<hbm>> -> memref<128x128xf32, #tpu.memory_space<hbm>>
        %dma_wait3A_643 = arith.constant 0 : i32
        %dma_wait3A_644 = arith.constant 0 : i32
        %dma_wait3A_645 = tpu.memref_slice %arg6[%dma_wait3A_632, %dma_wait3A_643, %dma_wait3A_644] : memref<4x128x128xf32, #tpu.memory_space<vmem>> -> memref<1x128x128xf32, #tpu.memory_space<vmem>>
        %dma_wait3A_646 = tpu.memref_squeeze %dma_wait3A_645 : memref<1x128x128xf32, #tpu.memory_space<vmem>> -> memref<128x128xf32, #tpu.memory_space<vmem>>
        tpu.wait_dma2 semaphore(%arg11 : memref<!tpu.dma_semaphore, #tpu.memory_space<semaphore_mem>>) src(%dma_wait3A_646 : memref<128x128xf32, #tpu.memory_space<vmem>>) dst(%dma_wait3A_642 : memref<128x128xf32, #tpu.memory_space<hbm>>)
      } else {
      }
      %dma_start3A_147 = arith.constant 2 : i32
      %dma_start3A_148 = arith.constant 1 : i32
      %dma_start3A_149 = arith.constant 0 : i32
      %dma_start3A_150 = arith.constant 0 : i32
      %dma_start3A_151 = tpu.memref_slice %arg6[%dma_start3A_148, %dma_start3A_149, %dma_start3A_150] : memref<4x128x128xf32, #tpu.memory_space<vmem>> -> memref<1x128x128xf32, #tpu.memory_space<vmem>>
      %dma_start3A_152 = tpu.memref_squeeze %dma_start3A_151 : memref<1x128x128xf32, #tpu.memory_space<vmem>> -> memref<128x128xf32, #tpu.memory_space<vmem>>
      %dma_start3A_153 = arith.constant 0 : i32
      %dma_start3A_154 = tpu.memref_slice %arg5[%select_n3A_116, %dma_start3A_147, %dma_start3A_153] : memref<2x8x128xi32, #tpu.memory_space<vmem>> -> memref<1x1x128xi32, #tpu.memory_space<vmem>>
      %dma_start3A_155 = tpu.memref_squeeze %dma_start3A_154 : memref<1x1x128xi32, #tpu.memory_space<vmem>> -> memref<128xi32, #tpu.memory_space<vmem>>
      %dma_start3A_156 = arith.constant 0 : i32
      %dma_start3A_157 = arith.constant 0 : i32
      %dma_start3A_158 = tpu.memref_slice %arg3[%dma_start3A_156, %dma_start3A_157] : memref<100000x128xf32, #tpu.memory_space<hbm>> -> memref<100000x128xf32, #tpu.memory_space<hbm>>
      tpu.enqueue_indirect_dma source(%dma_start3A_158 : memref<100000x128xf32, #tpu.memory_space<hbm>>) target(%dma_start3A_152 : memref<128x128xf32, #tpu.memory_space<vmem>>) offsets(%dma_start3A_155 : memref<128xi32, #tpu.memory_space<vmem>>) semaphore(%arg9 : memref<!tpu.dma_semaphore, #tpu.memory_space<semaphore_mem>>)
      %dma_wait3A_159 = arith.constant 0 : i32
      %dma_wait3A_160 = arith.constant 0 : i32
      %dma_wait3A_161 = arith.constant 0 : i32
      %dma_wait3A_162 = arith.constant 0 : i32
      %dma_wait3A_163 = arith.constant 0 : i32
      %dma_wait3A_164 = tpu.memref_slice %arg6[%dma_wait3A_161, %dma_wait3A_162, %dma_wait3A_163] : memref<4x128x128xf32, #tpu.memory_space<vmem>> -> memref<1x128x128xf32, #tpu.memory_space<vmem>>
      %dma_wait3A_165 = tpu.memref_squeeze %dma_wait3A_164 : memref<1x128x128xf32, #tpu.memory_space<vmem>> -> memref<128x128xf32, #tpu.memory_space<vmem>>
      %dma_wait3A_166 = arith.constant 0 : i32
      %dma_wait3A_167 = tpu.memref_slice %arg5[%dma_wait3A_159, %dma_wait3A_160, %dma_wait3A_166] : memref<2x8x128xi32, #tpu.memory_space<vmem>> -> memref<1x1x128xi32, #tpu.memory_space<vmem>>
      %dma_wait3A_168 = tpu.memref_squeeze %dma_wait3A_167 : memref<1x1x128xi32, #tpu.memory_space<vmem>> -> memref<128xi32, #tpu.memory_space<vmem>>
      %dma_wait3A_169 = arith.constant 0 : i32
      %dma_wait3A_170 = arith.constant 0 : i32
      %dma_wait3A_171 = tpu.memref_slice %arg3[%dma_wait3A_169, %dma_wait3A_170] : memref<100000x128xf32, #tpu.memory_space<hbm>> -> memref<100000x128xf32, #tpu.memory_space<hbm>>
      tpu.wait_indirect_dma semaphore(%arg9 : memref<!tpu.dma_semaphore, #tpu.memory_space<semaphore_mem>>) src(%dma_wait3A_171 : memref<100000x128xf32, #tpu.memory_space<hbm>>) dst(%dma_wait3A_165 : memref<128x128xf32, #tpu.memory_space<vmem>>)
      %dma_start3A_172 = arith.constant 0 : i32
      %dma_start3A_173 = arith.constant 0 : i32
      %dma_start3A_174 = arith.constant 0 : i32
      %dma_start3A_175 = tpu.memref_slice %arg6[%dma_start3A_172, %dma_start3A_173, %dma_start3A_174] : memref<4x128x128xf32, #tpu.memory_space<vmem>> -> memref<1x128x128xf32, #tpu.memory_space<vmem>>
      %dma_start3A_176 = tpu.memref_squeeze %dma_start3A_175 : memref<1x128x128xf32, #tpu.memory_space<vmem>> -> memref<128x128xf32, #tpu.memory_space<vmem>>
      %dma_start3A_177 = arith.constant 0 : i32
      %dma_start3A_178 = tpu.memref_slice %arg4[%add3A_142, %dma_start3A_177] : memref<819200x128xf32, #tpu.memory_space<hbm>> -> memref<128x128xf32, #tpu.memory_space<hbm>>
      %dma_start3A_179 = arith.constant 0 : i32
      %dma_start3A_180 = tpu.memref_slice %arg4[%add3A_142, %dma_start3A_179] : memref<819200x128xf32, #tpu.memory_space<hbm>> -> memref<128x128xf32, #tpu.memory_space<hbm>>
      %dma_start3A_181 = arith.constant 0 : i32
      %dma_start3A_182 = arith.constant 0 : i32
      %dma_start3A_183 = tpu.memref_slice %arg6[%dma_start3A_172, %dma_start3A_181, %dma_start3A_182] : memref<4x128x128xf32, #tpu.memory_space<vmem>> -> memref<1x128x128xf32, #tpu.memory_space<vmem>>
      %dma_start3A_184 = tpu.memref_squeeze %dma_start3A_183 : memref<1x128x128xf32, #tpu.memory_space<vmem>> -> memref<128x128xf32, #tpu.memory_space<vmem>>
      tpu.enqueue_dma source(%dma_start3A_184 : memref<128x128xf32, #tpu.memory_space<vmem>>) target(%dma_start3A_180 : memref<128x128xf32, #tpu.memory_space<hbm>>) target_semaphore(%arg11 : memref<!tpu.dma_semaphore, #tpu.memory_space<semaphore_mem>>)
      %mul3A_185 = arith.constant 1024 : i32
      %mul3A_186 = arith.muli %scan3A_101, %mul3A_185 : i32
      %add3A_187 = arith.addi %mul3A_2, %mul3A_186 : i32
      %add3A_188 = arith.constant 128 : i32
      %add3A_189 = arith.addi %add3A_187, %add3A_188 : i32
      %dma_start3A_190 = arith.constant 3 : i32
      %dma_start3A_191 = arith.constant 1 : i32
      %dma_start3A_192 = arith.constant 0 : i32
      %dma_start3A_193 = arith.constant 0 : i32
      %dma_start3A_194 = tpu.memref_slice %arg7[%dma_start3A_191, %dma_start3A_192, %dma_start3A_193] : memref<2x128x128xf32, #tpu.memory_space<vmem>> -> memref<1x128x128xf32, #tpu.memory_space<vmem>>
      %dma_start3A_195 = tpu.memref_squeeze %dma_start3A_194 : memref<1x128x128xf32, #tpu.memory_space<vmem>> -> memref<128x128xf32, #tpu.memory_space<vmem>>
      %dma_start3A_196 = arith.constant 0 : i32
      %dma_start3A_197 = tpu.memref_slice %arg5[%select_n3A_116, %dma_start3A_190, %dma_start3A_196] : memref<2x8x128xi32, #tpu.memory_space<vmem>> -> memref<1x1x128xi32, #tpu.memory_space<vmem>>
      %dma_start3A_198 = tpu.memref_squeeze %dma_start3A_197 : memref<1x1x128xi32, #tpu.memory_space<vmem>> -> memref<128xi32, #tpu.memory_space<vmem>>
      %dma_start3A_199 = arith.constant 0 : i32
      %dma_start3A_200 = arith.constant 0 : i32
      %dma_start3A_201 = tpu.memref_slice %arg3[%dma_start3A_199, %dma_start3A_200] : memref<100000x128xf32, #tpu.memory_space<hbm>> -> memref<100000x128xf32, #tpu.memory_space<hbm>>
      tpu.enqueue_indirect_dma source(%dma_start3A_201 : memref<100000x128xf32, #tpu.memory_space<hbm>>) target(%dma_start3A_195 : memref<128x128xf32, #tpu.memory_space<vmem>>) offsets(%dma_start3A_198 : memref<128xi32, #tpu.memory_space<vmem>>) semaphore(%arg10 : memref<!tpu.dma_semaphore, #tpu.memory_space<semaphore_mem>>)
      %dma_wait3A_202 = arith.constant 0 : i32
      %dma_wait3A_203 = arith.constant 0 : i32
      %dma_wait3A_204 = arith.constant 0 : i32
      %dma_wait3A_205 = arith.constant 0 : i32
      %dma_wait3A_206 = arith.constant 0 : i32
      %dma_wait3A_207 = tpu.memref_slice %arg6[%dma_wait3A_204, %dma_wait3A_205, %dma_wait3A_206] : memref<4x128x128xf32, #tpu.memory_space<vmem>> -> memref<1x128x128xf32, #tpu.memory_space<vmem>>
      %dma_wait3A_208 = tpu.memref_squeeze %dma_wait3A_207 : memref<1x128x128xf32, #tpu.memory_space<vmem>> -> memref<128x128xf32, #tpu.memory_space<vmem>>
      %dma_wait3A_209 = arith.constant 0 : i32
      %dma_wait3A_210 = tpu.memref_slice %arg5[%dma_wait3A_202, %dma_wait3A_203, %dma_wait3A_209] : memref<2x8x128xi32, #tpu.memory_space<vmem>> -> memref<1x1x128xi32, #tpu.memory_space<vmem>>
      %dma_wait3A_211 = tpu.memref_squeeze %dma_wait3A_210 : memref<1x1x128xi32, #tpu.memory_space<vmem>> -> memref<128xi32, #tpu.memory_space<vmem>>
      %dma_wait3A_212 = arith.constant 0 : i32
      %dma_wait3A_213 = arith.constant 0 : i32
      %dma_wait3A_214 = tpu.memref_slice %arg3[%dma_wait3A_212, %dma_wait3A_213] : memref<100000x128xf32, #tpu.memory_space<hbm>> -> memref<100000x128xf32, #tpu.memory_space<hbm>>
      tpu.wait_indirect_dma semaphore(%arg10 : memref<!tpu.dma_semaphore, #tpu.memory_space<semaphore_mem>>) src(%dma_wait3A_214 : memref<100000x128xf32, #tpu.memory_space<hbm>>) dst(%dma_wait3A_208 : memref<128x128xf32, #tpu.memory_space<vmem>>)
      %gt3A_215 = arith.constant 0 : i32
      %gt3A_216 = arith.cmpi sgt, %scan3A_101, %gt3A_215 : i32
      %convert_element_type3A_217 = arith.extui %gt3A_216 : i1 to i32
      %cond3A_218 = arith.constant 0 : i32
      %cond3A_219 = arith.cmpi ne, %convert_element_type3A_217, %cond3A_218 : i32
      scf.if %cond3A_219 {
        %dma_wait3A_632 = arith.constant 0 : i32
        %dma_wait3A_633 = arith.constant 0 : i32
        %dma_wait3A_634 = tpu.memref_slice %arg4[%dma_wait3A_632, %dma_wait3A_633] : memref<819200x128xf32, #tpu.memory_space<hbm>> -> memref<128x128xf32, #tpu.memory_space<hbm>>
        %dma_wait3A_635 = arith.constant 0 : i32
        %dma_wait3A_636 = arith.constant 0 : i32
        %dma_wait3A_637 = tpu.memref_slice %arg8[%arg1, %dma_wait3A_635, %dma_wait3A_636] : memref<16x128x128xf32, #tpu.memory_space<vmem_shared>> -> memref<1x128x128xf32, #tpu.memory_space<vmem_shared>>
        %dma_wait3A_638 = tpu.memref_squeeze %dma_wait3A_637 : memref<1x128x128xf32, #tpu.memory_space<vmem_shared>> -> memref<128x128xf32, #tpu.memory_space<vmem_shared>>
        tpu.wait_dma2 semaphore(%arg13 : memref<!tpu.dma_semaphore, #tpu.memory_space<semaphore_mem>>) src(%dma_wait3A_638 : memref<128x128xf32, #tpu.memory_space<vmem_shared>>) dst(%dma_wait3A_634 : memref<128x128xf32, #tpu.memory_space<hbm>>)
      } else {
      }
      %dma_start3A_220 = arith.constant 0 : i32
      %dma_start3A_221 = arith.constant 0 : i32
      %dma_start3A_222 = arith.constant 0 : i32
      %dma_start3A_223 = tpu.memref_slice %arg7[%dma_start3A_220, %dma_start3A_221, %dma_start3A_222] : memref<2x128x128xf32, #tpu.memory_space<vmem>> -> memref<1x128x128xf32, #tpu.memory_space<vmem>>
      %dma_start3A_224 = tpu.memref_squeeze %dma_start3A_223 : memref<1x128x128xf32, #tpu.memory_space<vmem>> -> memref<128x128xf32, #tpu.memory_space<vmem>>
      %dma_start3A_225 = arith.constant 0 : i32
      %dma_start3A_226 = arith.constant 0 : i32
      %dma_start3A_227 = tpu.memref_slice %arg8[%arg1, %dma_start3A_225, %dma_start3A_226] : memref<16x128x128xf32, #tpu.memory_space<vmem_shared>> -> memref<1x128x128xf32, #tpu.memory_space<vmem_shared>>
      %dma_start3A_228 = tpu.memref_squeeze %dma_start3A_227 : memref<1x128x128xf32, #tpu.memory_space<vmem_shared>> -> memref<128x128xf32, #tpu.memory_space<vmem_shared>>
      %dma_start3A_229 = arith.constant 0 : i32
      %dma_start3A_230 = arith.constant 0 : i32
      %dma_start3A_231 = tpu.memref_slice %arg8[%arg1, %dma_start3A_229, %dma_start3A_230] : memref<16x128x128xf32, #tpu.memory_space<vmem_shared>> -> memref<1x128x128xf32, #tpu.memory_space<vmem_shared>>
      %dma_start3A_232 = tpu.memref_squeeze %dma_start3A_231 : memref<1x128x128xf32, #tpu.memory_space<vmem_shared>> -> memref<128x128xf32, #tpu.memory_space<vmem_shared>>
      %dma_start3A_233 = arith.constant 0 : i32
      %dma_start3A_234 = arith.constant 0 : i32
      %dma_start3A_235 = tpu.memref_slice %arg7[%dma_start3A_220, %dma_start3A_233, %dma_start3A_234] : memref<2x128x128xf32, #tpu.memory_space<vmem>> -> memref<1x128x128xf32, #tpu.memory_space<vmem>>
      %dma_start3A_236 = tpu.memref_squeeze %dma_start3A_235 : memref<1x128x128xf32, #tpu.memory_space<vmem>> -> memref<128x128xf32, #tpu.memory_space<vmem>>
      tpu.enqueue_dma source(%dma_start3A_236 : memref<128x128xf32, #tpu.memory_space<vmem>>) target(%dma_start3A_232 : memref<128x128xf32, #tpu.memory_space<vmem_shared>>) target_semaphore(%arg12 : memref<!tpu.dma_semaphore, #tpu.memory_space<semaphore_mem>>)
      %dma_wait3A_237 = arith.constant 0 : i32
      %dma_wait3A_238 = arith.constant 0 : i32
      %dma_wait3A_239 = arith.constant 0 : i32
      %dma_wait3A_240 = tpu.memref_slice %arg7[%dma_wait3A_237, %dma_wait3A_238, %dma_wait3A_239] : memref<2x128x128xf32, #tpu.memory_space<vmem>> -> memref<1x128x128xf32, #tpu.memory_space<vmem>>
      %dma_wait3A_241 = tpu.memref_squeeze %dma_wait3A_240 : memref<1x128x128xf32, #tpu.memory_space<vmem>> -> memref<128x128xf32, #tpu.memory_space<vmem>>
      %dma_wait3A_242 = arith.constant 0 : i32
      %dma_wait3A_243 = arith.constant 0 : i32
      %dma_wait3A_244 = tpu.memref_slice %arg8[%arg1, %dma_wait3A_242, %dma_wait3A_243] : memref<16x128x128xf32, #tpu.memory_space<vmem_shared>> -> memref<1x128x128xf32, #tpu.memory_space<vmem_shared>>
      %dma_wait3A_245 = tpu.memref_squeeze %dma_wait3A_244 : memref<1x128x128xf32, #tpu.memory_space<vmem_shared>> -> memref<128x128xf32, #tpu.memory_space<vmem_shared>>
      %dma_wait3A_246 = arith.constant 0 : i32
      %dma_wait3A_247 = arith.constant 0 : i32
      %dma_wait3A_248 = tpu.memref_slice %arg8[%arg1, %dma_wait3A_246, %dma_wait3A_247] : memref<16x128x128xf32, #tpu.memory_space<vmem_shared>> -> memref<1x128x128xf32, #tpu.memory_space<vmem_shared>>
      %dma_wait3A_249 = tpu.memref_squeeze %dma_wait3A_248 : memref<1x128x128xf32, #tpu.memory_space<vmem_shared>> -> memref<128x128xf32, #tpu.memory_space<vmem_shared>>
      %dma_wait3A_250 = arith.constant 0 : i32
      %dma_wait3A_251 = arith.constant 0 : i32
      %dma_wait3A_252 = tpu.memref_slice %arg7[%dma_wait3A_237, %dma_wait3A_250, %dma_wait3A_251] : memref<2x128x128xf32, #tpu.memory_space<vmem>> -> memref<1x128x128xf32, #tpu.memory_space<vmem>>
      %dma_wait3A_253 = tpu.memref_squeeze %dma_wait3A_252 : memref<1x128x128xf32, #tpu.memory_space<vmem>> -> memref<128x128xf32, #tpu.memory_space<vmem>>
      tpu.wait_dma2 semaphore(%arg12 : memref<!tpu.dma_semaphore, #tpu.memory_space<semaphore_mem>>) src(%dma_wait3A_253 : memref<128x128xf32, #tpu.memory_space<vmem>>) dst(%dma_wait3A_249 : memref<128x128xf32, #tpu.memory_space<vmem_shared>>)
      %dma_start3A_254 = arith.constant 0 : i32
      %dma_start3A_255 = tpu.memref_slice %arg4[%add3A_189, %dma_start3A_254] : memref<819200x128xf32, #tpu.memory_space<hbm>> -> memref<128x128xf32, #tpu.memory_space<hbm>>
      %dma_start3A_256 = arith.constant 0 : i32
      %dma_start3A_257 = arith.constant 0 : i32
      %dma_start3A_258 = tpu.memref_slice %arg8[%arg1, %dma_start3A_256, %dma_start3A_257] : memref<16x128x128xf32, #tpu.memory_space<vmem_shared>> -> memref<1x128x128xf32, #tpu.memory_space<vmem_shared>>
      %dma_start3A_259 = tpu.memref_squeeze %dma_start3A_258 : memref<1x128x128xf32, #tpu.memory_space<vmem_shared>> -> memref<128x128xf32, #tpu.memory_space<vmem_shared>>
      tpu.enqueue_dma source(%dma_start3A_259 : memref<128x128xf32, #tpu.memory_space<vmem_shared>>) target(%dma_start3A_255 : memref<128x128xf32, #tpu.memory_space<hbm>>) target_semaphore(%arg13 : memref<!tpu.dma_semaphore, #tpu.memory_space<semaphore_mem>>)
      %mul3A_260 = arith.constant 1024 : i32
      %mul3A_261 = arith.muli %scan3A_101, %mul3A_260 : i32
      %add3A_262 = arith.addi %mul3A_2, %mul3A_261 : i32
      %add3A_263 = arith.constant 256 : i32
      %add3A_264 = arith.addi %add3A_262, %add3A_263 : i32
      %gt3A_265 = arith.constant 0 : i32
      %gt3A_266 = arith.cmpi sgt, %scan3A_101, %gt3A_265 : i32
      %convert_element_type3A_267 = arith.extui %gt3A_266 : i1 to i32
      %cond3A_268 = arith.constant 0 : i32
      %cond3A_269 = arith.cmpi ne, %convert_element_type3A_267, %cond3A_268 : i32
      scf.if %cond3A_269 {
        %dma_wait3A_632 = arith.constant 0 : i32
        %dma_wait3A_633 = arith.constant 0 : i32
        %dma_wait3A_634 = arith.constant 0 : i32
        %dma_wait3A_635 = tpu.memref_slice %arg6[%dma_wait3A_632, %dma_wait3A_633, %dma_wait3A_634] : memref<4x128x128xf32, #tpu.memory_space<vmem>> -> memref<1x128x128xf32, #tpu.memory_space<vmem>>
        %dma_wait3A_636 = tpu.memref_squeeze %dma_wait3A_635 : memref<1x128x128xf32, #tpu.memory_space<vmem>> -> memref<128x128xf32, #tpu.memory_space<vmem>>
        %dma_wait3A_637 = arith.constant 0 : i32
        %dma_wait3A_638 = arith.constant 0 : i32
        %dma_wait3A_639 = tpu.memref_slice %arg4[%dma_wait3A_637, %dma_wait3A_638] : memref<819200x128xf32, #tpu.memory_space<hbm>> -> memref<128x128xf32, #tpu.memory_space<hbm>>
        %dma_wait3A_640 = arith.constant 0 : i32
        %dma_wait3A_641 = arith.constant 0 : i32
        %dma_wait3A_642 = tpu.memref_slice %arg4[%dma_wait3A_640, %dma_wait3A_641] : memref<819200x128xf32, #tpu.memory_space<hbm>> -> memref<128x128xf32, #tpu.memory_space<hbm>>
        %dma_wait3A_643 = arith.constant 0 : i32
        %dma_wait3A_644 = arith.constant 0 : i32
        %dma_wait3A_645 = tpu.memref_slice %arg6[%dma_wait3A_632, %dma_wait3A_643, %dma_wait3A_644] : memref<4x128x128xf32, #tpu.memory_space<vmem>> -> memref<1x128x128xf32, #tpu.memory_space<vmem>>
        %dma_wait3A_646 = tpu.memref_squeeze %dma_wait3A_645 : memref<1x128x128xf32, #tpu.memory_space<vmem>> -> memref<128x128xf32, #tpu.memory_space<vmem>>
        tpu.wait_dma2 semaphore(%arg11 : memref<!tpu.dma_semaphore, #tpu.memory_space<semaphore_mem>>) src(%dma_wait3A_646 : memref<128x128xf32, #tpu.memory_space<vmem>>) dst(%dma_wait3A_642 : memref<128x128xf32, #tpu.memory_space<hbm>>)
      } else {
      }
      %dma_start3A_270 = arith.constant 4 : i32
      %dma_start3A_271 = arith.constant 2 : i32
      %dma_start3A_272 = arith.constant 0 : i32
      %dma_start3A_273 = arith.constant 0 : i32
      %dma_start3A_274 = tpu.memref_slice %arg6[%dma_start3A_271, %dma_start3A_272, %dma_start3A_273] : memref<4x128x128xf32, #tpu.memory_space<vmem>> -> memref<1x128x128xf32, #tpu.memory_space<vmem>>
      %dma_start3A_275 = tpu.memref_squeeze %dma_start3A_274 : memref<1x128x128xf32, #tpu.memory_space<vmem>> -> memref<128x128xf32, #tpu.memory_space<vmem>>
      %dma_start3A_276 = arith.constant 0 : i32
      %dma_start3A_277 = tpu.memref_slice %arg5[%select_n3A_116, %dma_start3A_270, %dma_start3A_276] : memref<2x8x128xi32, #tpu.memory_space<vmem>> -> memref<1x1x128xi32, #tpu.memory_space<vmem>>
      %dma_start3A_278 = tpu.memref_squeeze %dma_start3A_277 : memref<1x1x128xi32, #tpu.memory_space<vmem>> -> memref<128xi32, #tpu.memory_space<vmem>>
      %dma_start3A_279 = arith.constant 0 : i32
      %dma_start3A_280 = arith.constant 0 : i32
      %dma_start3A_281 = tpu.memref_slice %arg3[%dma_start3A_279, %dma_start3A_280] : memref<100000x128xf32, #tpu.memory_space<hbm>> -> memref<100000x128xf32, #tpu.memory_space<hbm>>
      tpu.enqueue_indirect_dma source(%dma_start3A_281 : memref<100000x128xf32, #tpu.memory_space<hbm>>) target(%dma_start3A_275 : memref<128x128xf32, #tpu.memory_space<vmem>>) offsets(%dma_start3A_278 : memref<128xi32, #tpu.memory_space<vmem>>) semaphore(%arg9 : memref<!tpu.dma_semaphore, #tpu.memory_space<semaphore_mem>>)
      %dma_wait3A_282 = arith.constant 0 : i32
      %dma_wait3A_283 = arith.constant 0 : i32
      %dma_wait3A_284 = arith.constant 0 : i32
      %dma_wait3A_285 = arith.constant 0 : i32
      %dma_wait3A_286 = arith.constant 0 : i32
      %dma_wait3A_287 = tpu.memref_slice %arg6[%dma_wait3A_284, %dma_wait3A_285, %dma_wait3A_286] : memref<4x128x128xf32, #tpu.memory_space<vmem>> -> memref<1x128x128xf32, #tpu.memory_space<vmem>>
      %dma_wait3A_288 = tpu.memref_squeeze %dma_wait3A_287 : memref<1x128x128xf32, #tpu.memory_space<vmem>> -> memref<128x128xf32, #tpu.memory_space<vmem>>
      %dma_wait3A_289 = arith.constant 0 : i32
      %dma_wait3A_290 = tpu.memref_slice %arg5[%dma_wait3A_282, %dma_wait3A_283, %dma_wait3A_289] : memref<2x8x128xi32, #tpu.memory_space<vmem>> -> memref<1x1x128xi32, #tpu.memory_space<vmem>>
      %dma_wait3A_291 = tpu.memref_squeeze %dma_wait3A_290 : memref<1x1x128xi32, #tpu.memory_space<vmem>> -> memref<128xi32, #tpu.memory_space<vmem>>
      %dma_wait3A_292 = arith.constant 0 : i32
      %dma_wait3A_293 = arith.constant 0 : i32
      %dma_wait3A_294 = tpu.memref_slice %arg3[%dma_wait3A_292, %dma_wait3A_293] : memref<100000x128xf32, #tpu.memory_space<hbm>> -> memref<100000x128xf32, #tpu.memory_space<hbm>>
      tpu.wait_indirect_dma semaphore(%arg9 : memref<!tpu.dma_semaphore, #tpu.memory_space<semaphore_mem>>) src(%dma_wait3A_294 : memref<100000x128xf32, #tpu.memory_space<hbm>>) dst(%dma_wait3A_288 : memref<128x128xf32, #tpu.memory_space<vmem>>)
      %dma_start3A_295 = arith.constant 1 : i32
      %dma_start3A_296 = arith.constant 0 : i32
      %dma_start3A_297 = arith.constant 0 : i32
      %dma_start3A_298 = tpu.memref_slice %arg6[%dma_start3A_295, %dma_start3A_296, %dma_start3A_297] : memref<4x128x128xf32, #tpu.memory_space<vmem>> -> memref<1x128x128xf32, #tpu.memory_space<vmem>>
      %dma_start3A_299 = tpu.memref_squeeze %dma_start3A_298 : memref<1x128x128xf32, #tpu.memory_space<vmem>> -> memref<128x128xf32, #tpu.memory_space<vmem>>
      %dma_start3A_300 = arith.constant 0 : i32
      %dma_start3A_301 = tpu.memref_slice %arg4[%add3A_264, %dma_start3A_300] : memref<819200x128xf32, #tpu.memory_space<hbm>> -> memref<128x128xf32, #tpu.memory_space<hbm>>
      %dma_start3A_302 = arith.constant 0 : i32
      %dma_start3A_303 = tpu.memref_slice %arg4[%add3A_264, %dma_start3A_302] : memref<819200x128xf32, #tpu.memory_space<hbm>> -> memref<128x128xf32, #tpu.memory_space<hbm>>
      %dma_start3A_304 = arith.constant 0 : i32
      %dma_start3A_305 = arith.constant 0 : i32
      %dma_start3A_306 = tpu.memref_slice %arg6[%dma_start3A_295, %dma_start3A_304, %dma_start3A_305] : memref<4x128x128xf32, #tpu.memory_space<vmem>> -> memref<1x128x128xf32, #tpu.memory_space<vmem>>
      %dma_start3A_307 = tpu.memref_squeeze %dma_start3A_306 : memref<1x128x128xf32, #tpu.memory_space<vmem>> -> memref<128x128xf32, #tpu.memory_space<vmem>>
      tpu.enqueue_dma source(%dma_start3A_307 : memref<128x128xf32, #tpu.memory_space<vmem>>) target(%dma_start3A_303 : memref<128x128xf32, #tpu.memory_space<hbm>>) target_semaphore(%arg11 : memref<!tpu.dma_semaphore, #tpu.memory_space<semaphore_mem>>)
      %mul3A_308 = arith.constant 1024 : i32
      %mul3A_309 = arith.muli %scan3A_101, %mul3A_308 : i32
      %add3A_310 = arith.addi %mul3A_2, %mul3A_309 : i32
      %add3A_311 = arith.constant 384 : i32
      %add3A_312 = arith.addi %add3A_310, %add3A_311 : i32
      %dma_start3A_313 = arith.constant 5 : i32
      %dma_start3A_314 = arith.constant 0 : i32
      %dma_start3A_315 = arith.constant 0 : i32
      %dma_start3A_316 = arith.constant 0 : i32
      %dma_start3A_317 = tpu.memref_slice %arg7[%dma_start3A_314, %dma_start3A_315, %dma_start3A_316] : memref<2x128x128xf32, #tpu.memory_space<vmem>> -> memref<1x128x128xf32, #tpu.memory_space<vmem>>
      %dma_start3A_318 = tpu.memref_squeeze %dma_start3A_317 : memref<1x128x128xf32, #tpu.memory_space<vmem>> -> memref<128x128xf32, #tpu.memory_space<vmem>>
      %dma_start3A_319 = arith.constant 0 : i32
      %dma_start3A_320 = tpu.memref_slice %arg5[%select_n3A_116, %dma_start3A_313, %dma_start3A_319] : memref<2x8x128xi32, #tpu.memory_space<vmem>> -> memref<1x1x128xi32, #tpu.memory_space<vmem>>
      %dma_start3A_321 = tpu.memref_squeeze %dma_start3A_320 : memref<1x1x128xi32, #tpu.memory_space<vmem>> -> memref<128xi32, #tpu.memory_space<vmem>>
      %dma_start3A_322 = arith.constant 0 : i32
      %dma_start3A_323 = arith.constant 0 : i32
      %dma_start3A_324 = tpu.memref_slice %arg3[%dma_start3A_322, %dma_start3A_323] : memref<100000x128xf32, #tpu.memory_space<hbm>> -> memref<100000x128xf32, #tpu.memory_space<hbm>>
      tpu.enqueue_indirect_dma source(%dma_start3A_324 : memref<100000x128xf32, #tpu.memory_space<hbm>>) target(%dma_start3A_318 : memref<128x128xf32, #tpu.memory_space<vmem>>) offsets(%dma_start3A_321 : memref<128xi32, #tpu.memory_space<vmem>>) semaphore(%arg10 : memref<!tpu.dma_semaphore, #tpu.memory_space<semaphore_mem>>)
      %dma_wait3A_325 = arith.constant 0 : i32
      %dma_wait3A_326 = arith.constant 0 : i32
      %dma_wait3A_327 = arith.constant 0 : i32
      %dma_wait3A_328 = arith.constant 0 : i32
      %dma_wait3A_329 = arith.constant 0 : i32
      %dma_wait3A_330 = tpu.memref_slice %arg6[%dma_wait3A_327, %dma_wait3A_328, %dma_wait3A_329] : memref<4x128x128xf32, #tpu.memory_space<vmem>> -> memref<1x128x128xf32, #tpu.memory_space<vmem>>
      %dma_wait3A_331 = tpu.memref_squeeze %dma_wait3A_330 : memref<1x128x128xf32, #tpu.memory_space<vmem>> -> memref<128x128xf32, #tpu.memory_space<vmem>>
      %dma_wait3A_332 = arith.constant 0 : i32
      %dma_wait3A_333 = tpu.memref_slice %arg5[%dma_wait3A_325, %dma_wait3A_326, %dma_wait3A_332] : memref<2x8x128xi32, #tpu.memory_space<vmem>> -> memref<1x1x128xi32, #tpu.memory_space<vmem>>
      %dma_wait3A_334 = tpu.memref_squeeze %dma_wait3A_333 : memref<1x1x128xi32, #tpu.memory_space<vmem>> -> memref<128xi32, #tpu.memory_space<vmem>>
      %dma_wait3A_335 = arith.constant 0 : i32
      %dma_wait3A_336 = arith.constant 0 : i32
      %dma_wait3A_337 = tpu.memref_slice %arg3[%dma_wait3A_335, %dma_wait3A_336] : memref<100000x128xf32, #tpu.memory_space<hbm>> -> memref<100000x128xf32, #tpu.memory_space<hbm>>
      tpu.wait_indirect_dma semaphore(%arg10 : memref<!tpu.dma_semaphore, #tpu.memory_space<semaphore_mem>>) src(%dma_wait3A_337 : memref<100000x128xf32, #tpu.memory_space<hbm>>) dst(%dma_wait3A_331 : memref<128x128xf32, #tpu.memory_space<vmem>>)
      %dma_wait3A_338 = arith.constant 0 : i32
      %dma_wait3A_339 = arith.constant 0 : i32
      %dma_wait3A_340 = tpu.memref_slice %arg4[%dma_wait3A_338, %dma_wait3A_339] : memref<819200x128xf32, #tpu.memory_space<hbm>> -> memref<128x128xf32, #tpu.memory_space<hbm>>
      %dma_wait3A_341 = arith.constant 0 : i32
      %dma_wait3A_342 = arith.constant 0 : i32
      %dma_wait3A_343 = tpu.memref_slice %arg8[%arg1, %dma_wait3A_341, %dma_wait3A_342] : memref<16x128x128xf32, #tpu.memory_space<vmem_shared>> -> memref<1x128x128xf32, #tpu.memory_space<vmem_shared>>
      %dma_wait3A_344 = tpu.memref_squeeze %dma_wait3A_343 : memref<1x128x128xf32, #tpu.memory_space<vmem_shared>> -> memref<128x128xf32, #tpu.memory_space<vmem_shared>>
      tpu.wait_dma2 semaphore(%arg13 : memref<!tpu.dma_semaphore, #tpu.memory_space<semaphore_mem>>) src(%dma_wait3A_344 : memref<128x128xf32, #tpu.memory_space<vmem_shared>>) dst(%dma_wait3A_340 : memref<128x128xf32, #tpu.memory_space<hbm>>)
      %dma_start3A_345 = arith.constant 1 : i32
      %dma_start3A_346 = arith.constant 0 : i32
      %dma_start3A_347 = arith.constant 0 : i32
      %dma_start3A_348 = tpu.memref_slice %arg7[%dma_start3A_345, %dma_start3A_346, %dma_start3A_347] : memref<2x128x128xf32, #tpu.memory_space<vmem>> -> memref<1x128x128xf32, #tpu.memory_space<vmem>>
      %dma_start3A_349 = tpu.memref_squeeze %dma_start3A_348 : memref<1x128x128xf32, #tpu.memory_space<vmem>> -> memref<128x128xf32, #tpu.memory_space<vmem>>
      %dma_start3A_350 = arith.constant 0 : i32
      %dma_start3A_351 = arith.constant 0 : i32
      %dma_start3A_352 = tpu.memref_slice %arg8[%arg1, %dma_start3A_350, %dma_start3A_351] : memref<16x128x128xf32, #tpu.memory_space<vmem_shared>> -> memref<1x128x128xf32, #tpu.memory_space<vmem_shared>>
      %dma_start3A_353 = tpu.memref_squeeze %dma_start3A_352 : memref<1x128x128xf32, #tpu.memory_space<vmem_shared>> -> memref<128x128xf32, #tpu.memory_space<vmem_shared>>
      %dma_start3A_354 = arith.constant 0 : i32
      %dma_start3A_355 = arith.constant 0 : i32
      %dma_start3A_356 = tpu.memref_slice %arg8[%arg1, %dma_start3A_354, %dma_start3A_355] : memref<16x128x128xf32, #tpu.memory_space<vmem_shared>> -> memref<1x128x128xf32, #tpu.memory_space<vmem_shared>>
      %dma_start3A_357 = tpu.memref_squeeze %dma_start3A_356 : memref<1x128x128xf32, #tpu.memory_space<vmem_shared>> -> memref<128x128xf32, #tpu.memory_space<vmem_shared>>
      %dma_start3A_358 = arith.constant 0 : i32
      %dma_start3A_359 = arith.constant 0 : i32
      %dma_start3A_360 = tpu.memref_slice %arg7[%dma_start3A_345, %dma_start3A_358, %dma_start3A_359] : memref<2x128x128xf32, #tpu.memory_space<vmem>> -> memref<1x128x128xf32, #tpu.memory_space<vmem>>
      %dma_start3A_361 = tpu.memref_squeeze %dma_start3A_360 : memref<1x128x128xf32, #tpu.memory_space<vmem>> -> memref<128x128xf32, #tpu.memory_space<vmem>>
      tpu.enqueue_dma source(%dma_start3A_361 : memref<128x128xf32, #tpu.memory_space<vmem>>) target(%dma_start3A_357 : memref<128x128xf32, #tpu.memory_space<vmem_shared>>) target_semaphore(%arg12 : memref<!tpu.dma_semaphore, #tpu.memory_space<semaphore_mem>>)
      %dma_wait3A_362 = arith.constant 0 : i32
      %dma_wait3A_363 = arith.constant 0 : i32
      %dma_wait3A_364 = arith.constant 0 : i32
      %dma_wait3A_365 = tpu.memref_slice %arg7[%dma_wait3A_362, %dma_wait3A_363, %dma_wait3A_364] : memref<2x128x128xf32, #tpu.memory_space<vmem>> -> memref<1x128x128xf32, #tpu.memory_space<vmem>>
      %dma_wait3A_366 = tpu.memref_squeeze %dma_wait3A_365 : memref<1x128x128xf32, #tpu.memory_space<vmem>> -> memref<128x128xf32, #tpu.memory_space<vmem>>
      %dma_wait3A_367 = arith.constant 0 : i32
      %dma_wait3A_368 = arith.constant 0 : i32
      %dma_wait3A_369 = tpu.memref_slice %arg8[%arg1, %dma_wait3A_367, %dma_wait3A_368] : memref<16x128x128xf32, #tpu.memory_space<vmem_shared>> -> memref<1x128x128xf32, #tpu.memory_space<vmem_shared>>
      %dma_wait3A_370 = tpu.memref_squeeze %dma_wait3A_369 : memref<1x128x128xf32, #tpu.memory_space<vmem_shared>> -> memref<128x128xf32, #tpu.memory_space<vmem_shared>>
      %dma_wait3A_371 = arith.constant 0 : i32
      %dma_wait3A_372 = arith.constant 0 : i32
      %dma_wait3A_373 = tpu.memref_slice %arg8[%arg1, %dma_wait3A_371, %dma_wait3A_372] : memref<16x128x128xf32, #tpu.memory_space<vmem_shared>> -> memref<1x128x128xf32, #tpu.memory_space<vmem_shared>>
      %dma_wait3A_374 = tpu.memref_squeeze %dma_wait3A_373 : memref<1x128x128xf32, #tpu.memory_space<vmem_shared>> -> memref<128x128xf32, #tpu.memory_space<vmem_shared>>
      %dma_wait3A_375 = arith.constant 0 : i32
      %dma_wait3A_376 = arith.constant 0 : i32
      %dma_wait3A_377 = tpu.memref_slice %arg7[%dma_wait3A_362, %dma_wait3A_375, %dma_wait3A_376] : memref<2x128x128xf32, #tpu.memory_space<vmem>> -> memref<1x128x128xf32, #tpu.memory_space<vmem>>
      %dma_wait3A_378 = tpu.memref_squeeze %dma_wait3A_377 : memref<1x128x128xf32, #tpu.memory_space<vmem>> -> memref<128x128xf32, #tpu.memory_space<vmem>>
      tpu.wait_dma2 semaphore(%arg12 : memref<!tpu.dma_semaphore, #tpu.memory_space<semaphore_mem>>) src(%dma_wait3A_378 : memref<128x128xf32, #tpu.memory_space<vmem>>) dst(%dma_wait3A_374 : memref<128x128xf32, #tpu.memory_space<vmem_shared>>)
      %dma_start3A_379 = arith.constant 0 : i32
      %dma_start3A_380 = tpu.memref_slice %arg4[%add3A_312, %dma_start3A_379] : memref<819200x128xf32, #tpu.memory_space<hbm>> -> memref<128x128xf32, #tpu.memory_space<hbm>>
      %dma_start3A_381 = arith.constant 0 : i32
      %dma_start3A_382 = arith.constant 0 : i32
      %dma_start3A_383 = tpu.memref_slice %arg8[%arg1, %dma_start3A_381, %dma_start3A_382] : memref<16x128x128xf32, #tpu.memory_space<vmem_shared>> -> memref<1x128x128xf32, #tpu.memory_space<vmem_shared>>
      %dma_start3A_384 = tpu.memref_squeeze %dma_start3A_383 : memref<1x128x128xf32, #tpu.memory_space<vmem_shared>> -> memref<128x128xf32, #tpu.memory_space<vmem_shared>>
      tpu.enqueue_dma source(%dma_start3A_384 : memref<128x128xf32, #tpu.memory_space<vmem_shared>>) target(%dma_start3A_380 : memref<128x128xf32, #tpu.memory_space<hbm>>) target_semaphore(%arg13 : memref<!tpu.dma_semaphore, #tpu.memory_space<semaphore_mem>>)
      %mul3A_385 = arith.constant 1024 : i32
      %mul3A_386 = arith.muli %scan3A_101, %mul3A_385 : i32
      %add3A_387 = arith.addi %mul3A_2, %mul3A_386 : i32
      %add3A_388 = arith.constant 512 : i32
      %add3A_389 = arith.addi %add3A_387, %add3A_388 : i32
      %gt3A_390 = arith.constant 0 : i32
      %gt3A_391 = arith.cmpi sgt, %scan3A_101, %gt3A_390 : i32
      %convert_element_type3A_392 = arith.extui %gt3A_391 : i1 to i32
      %cond3A_393 = arith.constant 0 : i32
      %cond3A_394 = arith.cmpi ne, %convert_element_type3A_392, %cond3A_393 : i32
      scf.if %cond3A_394 {
        %dma_wait3A_632 = arith.constant 0 : i32
        %dma_wait3A_633 = arith.constant 0 : i32
        %dma_wait3A_634 = arith.constant 0 : i32
        %dma_wait3A_635 = tpu.memref_slice %arg6[%dma_wait3A_632, %dma_wait3A_633, %dma_wait3A_634] : memref<4x128x128xf32, #tpu.memory_space<vmem>> -> memref<1x128x128xf32, #tpu.memory_space<vmem>>
        %dma_wait3A_636 = tpu.memref_squeeze %dma_wait3A_635 : memref<1x128x128xf32, #tpu.memory_space<vmem>> -> memref<128x128xf32, #tpu.memory_space<vmem>>
        %dma_wait3A_637 = arith.constant 0 : i32
        %dma_wait3A_638 = arith.constant 0 : i32
        %dma_wait3A_639 = tpu.memref_slice %arg4[%dma_wait3A_637, %dma_wait3A_638] : memref<819200x128xf32, #tpu.memory_space<hbm>> -> memref<128x128xf32, #tpu.memory_space<hbm>>
        %dma_wait3A_640 = arith.constant 0 : i32
        %dma_wait3A_641 = arith.constant 0 : i32
        %dma_wait3A_642 = tpu.memref_slice %arg4[%dma_wait3A_640, %dma_wait3A_641] : memref<819200x128xf32, #tpu.memory_space<hbm>> -> memref<128x128xf32, #tpu.memory_space<hbm>>
        %dma_wait3A_643 = arith.constant 0 : i32
        %dma_wait3A_644 = arith.constant 0 : i32
        %dma_wait3A_645 = tpu.memref_slice %arg6[%dma_wait3A_632, %dma_wait3A_643, %dma_wait3A_644] : memref<4x128x128xf32, #tpu.memory_space<vmem>> -> memref<1x128x128xf32, #tpu.memory_space<vmem>>
        %dma_wait3A_646 = tpu.memref_squeeze %dma_wait3A_645 : memref<1x128x128xf32, #tpu.memory_space<vmem>> -> memref<128x128xf32, #tpu.memory_space<vmem>>
        tpu.wait_dma2 semaphore(%arg11 : memref<!tpu.dma_semaphore, #tpu.memory_space<semaphore_mem>>) src(%dma_wait3A_646 : memref<128x128xf32, #tpu.memory_space<vmem>>) dst(%dma_wait3A_642 : memref<128x128xf32, #tpu.memory_space<hbm>>)
      } else {
      }
      %dma_start3A_395 = arith.constant 6 : i32
      %dma_start3A_396 = arith.constant 3 : i32
      %dma_start3A_397 = arith.constant 0 : i32
      %dma_start3A_398 = arith.constant 0 : i32
      %dma_start3A_399 = tpu.memref_slice %arg6[%dma_start3A_396, %dma_start3A_397, %dma_start3A_398] : memref<4x128x128xf32, #tpu.memory_space<vmem>> -> memref<1x128x128xf32, #tpu.memory_space<vmem>>
      %dma_start3A_400 = tpu.memref_squeeze %dma_start3A_399 : memref<1x128x128xf32, #tpu.memory_space<vmem>> -> memref<128x128xf32, #tpu.memory_space<vmem>>
      %dma_start3A_401 = arith.constant 0 : i32
      %dma_start3A_402 = tpu.memref_slice %arg5[%select_n3A_116, %dma_start3A_395, %dma_start3A_401] : memref<2x8x128xi32, #tpu.memory_space<vmem>> -> memref<1x1x128xi32, #tpu.memory_space<vmem>>
      %dma_start3A_403 = tpu.memref_squeeze %dma_start3A_402 : memref<1x1x128xi32, #tpu.memory_space<vmem>> -> memref<128xi32, #tpu.memory_space<vmem>>
      %dma_start3A_404 = arith.constant 0 : i32
      %dma_start3A_405 = arith.constant 0 : i32
      %dma_start3A_406 = tpu.memref_slice %arg3[%dma_start3A_404, %dma_start3A_405] : memref<100000x128xf32, #tpu.memory_space<hbm>> -> memref<100000x128xf32, #tpu.memory_space<hbm>>
      tpu.enqueue_indirect_dma source(%dma_start3A_406 : memref<100000x128xf32, #tpu.memory_space<hbm>>) target(%dma_start3A_400 : memref<128x128xf32, #tpu.memory_space<vmem>>) offsets(%dma_start3A_403 : memref<128xi32, #tpu.memory_space<vmem>>) semaphore(%arg9 : memref<!tpu.dma_semaphore, #tpu.memory_space<semaphore_mem>>)
      %dma_wait3A_407 = arith.constant 0 : i32
      %dma_wait3A_408 = arith.constant 0 : i32
      %dma_wait3A_409 = arith.constant 0 : i32
      %dma_wait3A_410 = arith.constant 0 : i32
      %dma_wait3A_411 = arith.constant 0 : i32
      %dma_wait3A_412 = tpu.memref_slice %arg6[%dma_wait3A_409, %dma_wait3A_410, %dma_wait3A_411] : memref<4x128x128xf32, #tpu.memory_space<vmem>> -> memref<1x128x128xf32, #tpu.memory_space<vmem>>
      %dma_wait3A_413 = tpu.memref_squeeze %dma_wait3A_412 : memref<1x128x128xf32, #tpu.memory_space<vmem>> -> memref<128x128xf32, #tpu.memory_space<vmem>>
      %dma_wait3A_414 = arith.constant 0 : i32
      %dma_wait3A_415 = tpu.memref_slice %arg5[%dma_wait3A_407, %dma_wait3A_408, %dma_wait3A_414] : memref<2x8x128xi32, #tpu.memory_space<vmem>> -> memref<1x1x128xi32, #tpu.memory_space<vmem>>
      %dma_wait3A_416 = tpu.memref_squeeze %dma_wait3A_415 : memref<1x1x128xi32, #tpu.memory_space<vmem>> -> memref<128xi32, #tpu.memory_space<vmem>>
      %dma_wait3A_417 = arith.constant 0 : i32
      %dma_wait3A_418 = arith.constant 0 : i32
      %dma_wait3A_419 = tpu.memref_slice %arg3[%dma_wait3A_417, %dma_wait3A_418] : memref<100000x128xf32, #tpu.memory_space<hbm>> -> memref<100000x128xf32, #tpu.memory_space<hbm>>
      tpu.wait_indirect_dma semaphore(%arg9 : memref<!tpu.dma_semaphore, #tpu.memory_space<semaphore_mem>>) src(%dma_wait3A_419 : memref<100000x128xf32, #tpu.memory_space<hbm>>) dst(%dma_wait3A_413 : memref<128x128xf32, #tpu.memory_space<vmem>>)
      %dma_start3A_420 = arith.constant 2 : i32
      %dma_start3A_421 = arith.constant 0 : i32
      %dma_start3A_422 = arith.constant 0 : i32
      %dma_start3A_423 = tpu.memref_slice %arg6[%dma_start3A_420, %dma_start3A_421, %dma_start3A_422] : memref<4x128x128xf32, #tpu.memory_space<vmem>> -> memref<1x128x128xf32, #tpu.memory_space<vmem>>
      %dma_start3A_424 = tpu.memref_squeeze %dma_start3A_423 : memref<1x128x128xf32, #tpu.memory_space<vmem>> -> memref<128x128xf32, #tpu.memory_space<vmem>>
      %dma_start3A_425 = arith.constant 0 : i32
      %dma_start3A_426 = tpu.memref_slice %arg4[%add3A_389, %dma_start3A_425] : memref<819200x128xf32, #tpu.memory_space<hbm>> -> memref<128x128xf32, #tpu.memory_space<hbm>>
      %dma_start3A_427 = arith.constant 0 : i32
      %dma_start3A_428 = tpu.memref_slice %arg4[%add3A_389, %dma_start3A_427] : memref<819200x128xf32, #tpu.memory_space<hbm>> -> memref<128x128xf32, #tpu.memory_space<hbm>>
      %dma_start3A_429 = arith.constant 0 : i32
      %dma_start3A_430 = arith.constant 0 : i32
      %dma_start3A_431 = tpu.memref_slice %arg6[%dma_start3A_420, %dma_start3A_429, %dma_start3A_430] : memref<4x128x128xf32, #tpu.memory_space<vmem>> -> memref<1x128x128xf32, #tpu.memory_space<vmem>>
      %dma_start3A_432 = tpu.memref_squeeze %dma_start3A_431 : memref<1x128x128xf32, #tpu.memory_space<vmem>> -> memref<128x128xf32, #tpu.memory_space<vmem>>
      tpu.enqueue_dma source(%dma_start3A_432 : memref<128x128xf32, #tpu.memory_space<vmem>>) target(%dma_start3A_428 : memref<128x128xf32, #tpu.memory_space<hbm>>) target_semaphore(%arg11 : memref<!tpu.dma_semaphore, #tpu.memory_space<semaphore_mem>>)
      %mul3A_433 = arith.constant 1024 : i32
      %mul3A_434 = arith.muli %scan3A_101, %mul3A_433 : i32
      %add3A_435 = arith.addi %mul3A_2, %mul3A_434 : i32
      %add3A_436 = arith.constant 640 : i32
      %add3A_437 = arith.addi %add3A_435, %add3A_436 : i32
      %dma_start3A_438 = arith.constant 7 : i32
      %dma_start3A_439 = arith.constant 1 : i32
      %dma_start3A_440 = arith.constant 0 : i32
      %dma_start3A_441 = arith.constant 0 : i32
      %dma_start3A_442 = tpu.memref_slice %arg7[%dma_start3A_439, %dma_start3A_440, %dma_start3A_441] : memref<2x128x128xf32, #tpu.memory_space<vmem>> -> memref<1x128x128xf32, #tpu.memory_space<vmem>>
      %dma_start3A_443 = tpu.memref_squeeze %dma_start3A_442 : memref<1x128x128xf32, #tpu.memory_space<vmem>> -> memref<128x128xf32, #tpu.memory_space<vmem>>
      %dma_start3A_444 = arith.constant 0 : i32
      %dma_start3A_445 = tpu.memref_slice %arg5[%select_n3A_116, %dma_start3A_438, %dma_start3A_444] : memref<2x8x128xi32, #tpu.memory_space<vmem>> -> memref<1x1x128xi32, #tpu.memory_space<vmem>>
      %dma_start3A_446 = tpu.memref_squeeze %dma_start3A_445 : memref<1x1x128xi32, #tpu.memory_space<vmem>> -> memref<128xi32, #tpu.memory_space<vmem>>
      %dma_start3A_447 = arith.constant 0 : i32
      %dma_start3A_448 = arith.constant 0 : i32
      %dma_start3A_449 = tpu.memref_slice %arg3[%dma_start3A_447, %dma_start3A_448] : memref<100000x128xf32, #tpu.memory_space<hbm>> -> memref<100000x128xf32, #tpu.memory_space<hbm>>
      tpu.enqueue_indirect_dma source(%dma_start3A_449 : memref<100000x128xf32, #tpu.memory_space<hbm>>) target(%dma_start3A_443 : memref<128x128xf32, #tpu.memory_space<vmem>>) offsets(%dma_start3A_446 : memref<128xi32, #tpu.memory_space<vmem>>) semaphore(%arg10 : memref<!tpu.dma_semaphore, #tpu.memory_space<semaphore_mem>>)
      %dma_wait3A_450 = arith.constant 0 : i32
      %dma_wait3A_451 = arith.constant 0 : i32
      %dma_wait3A_452 = arith.constant 0 : i32
      %dma_wait3A_453 = arith.constant 0 : i32
      %dma_wait3A_454 = arith.constant 0 : i32
      %dma_wait3A_455 = tpu.memref_slice %arg6[%dma_wait3A_452, %dma_wait3A_453, %dma_wait3A_454] : memref<4x128x128xf32, #tpu.memory_space<vmem>> -> memref<1x128x128xf32, #tpu.memory_space<vmem>>
      %dma_wait3A_456 = tpu.memref_squeeze %dma_wait3A_455 : memref<1x128x128xf32, #tpu.memory_space<vmem>> -> memref<128x128xf32, #tpu.memory_space<vmem>>
      %dma_wait3A_457 = arith.constant 0 : i32
      %dma_wait3A_458 = tpu.memref_slice %arg5[%dma_wait3A_450, %dma_wait3A_451, %dma_wait3A_457] : memref<2x8x128xi32, #tpu.memory_space<vmem>> -> memref<1x1x128xi32, #tpu.memory_space<vmem>>
      %dma_wait3A_459 = tpu.memref_squeeze %dma_wait3A_458 : memref<1x1x128xi32, #tpu.memory_space<vmem>> -> memref<128xi32, #tpu.memory_space<vmem>>
      %dma_wait3A_460 = arith.constant 0 : i32
      %dma_wait3A_461 = arith.constant 0 : i32
      %dma_wait3A_462 = tpu.memref_slice %arg3[%dma_wait3A_460, %dma_wait3A_461] : memref<100000x128xf32, #tpu.memory_space<hbm>> -> memref<100000x128xf32, #tpu.memory_space<hbm>>
      tpu.wait_indirect_dma semaphore(%arg10 : memref<!tpu.dma_semaphore, #tpu.memory_space<semaphore_mem>>) src(%dma_wait3A_462 : memref<100000x128xf32, #tpu.memory_space<hbm>>) dst(%dma_wait3A_456 : memref<128x128xf32, #tpu.memory_space<vmem>>)
      %dma_wait3A_463 = arith.constant 0 : i32
      %dma_wait3A_464 = arith.constant 0 : i32
      %dma_wait3A_465 = tpu.memref_slice %arg4[%dma_wait3A_463, %dma_wait3A_464] : memref<819200x128xf32, #tpu.memory_space<hbm>> -> memref<128x128xf32, #tpu.memory_space<hbm>>
      %dma_wait3A_466 = arith.constant 0 : i32
      %dma_wait3A_467 = arith.constant 0 : i32
      %dma_wait3A_468 = tpu.memref_slice %arg8[%arg1, %dma_wait3A_466, %dma_wait3A_467] : memref<16x128x128xf32, #tpu.memory_space<vmem_shared>> -> memref<1x128x128xf32, #tpu.memory_space<vmem_shared>>
      %dma_wait3A_469 = tpu.memref_squeeze %dma_wait3A_468 : memref<1x128x128xf32, #tpu.memory_space<vmem_shared>> -> memref<128x128xf32, #tpu.memory_space<vmem_shared>>
      tpu.wait_dma2 semaphore(%arg13 : memref<!tpu.dma_semaphore, #tpu.memory_space<semaphore_mem>>) src(%dma_wait3A_469 : memref<128x128xf32, #tpu.memory_space<vmem_shared>>) dst(%dma_wait3A_465 : memref<128x128xf32, #tpu.memory_space<hbm>>)
      %dma_start3A_470 = arith.constant 0 : i32
      %dma_start3A_471 = arith.constant 0 : i32
      %dma_start3A_472 = arith.constant 0 : i32
      %dma_start3A_473 = tpu.memref_slice %arg7[%dma_start3A_470, %dma_start3A_471, %dma_start3A_472] : memref<2x128x128xf32, #tpu.memory_space<vmem>> -> memref<1x128x128xf32, #tpu.memory_space<vmem>>
      %dma_start3A_474 = tpu.memref_squeeze %dma_start3A_473 : memref<1x128x128xf32, #tpu.memory_space<vmem>> -> memref<128x128xf32, #tpu.memory_space<vmem>>
      %dma_start3A_475 = arith.constant 0 : i32
      %dma_start3A_476 = arith.constant 0 : i32
      %dma_start3A_477 = tpu.memref_slice %arg8[%arg1, %dma_start3A_475, %dma_start3A_476] : memref<16x128x128xf32, #tpu.memory_space<vmem_shared>> -> memref<1x128x128xf32, #tpu.memory_space<vmem_shared>>
      %dma_start3A_478 = tpu.memref_squeeze %dma_start3A_477 : memref<1x128x128xf32, #tpu.memory_space<vmem_shared>> -> memref<128x128xf32, #tpu.memory_space<vmem_shared>>
      %dma_start3A_479 = arith.constant 0 : i32
      %dma_start3A_480 = arith.constant 0 : i32
      %dma_start3A_481 = tpu.memref_slice %arg8[%arg1, %dma_start3A_479, %dma_start3A_480] : memref<16x128x128xf32, #tpu.memory_space<vmem_shared>> -> memref<1x128x128xf32, #tpu.memory_space<vmem_shared>>
      %dma_start3A_482 = tpu.memref_squeeze %dma_start3A_481 : memref<1x128x128xf32, #tpu.memory_space<vmem_shared>> -> memref<128x128xf32, #tpu.memory_space<vmem_shared>>
      %dma_start3A_483 = arith.constant 0 : i32
      %dma_start3A_484 = arith.constant 0 : i32
      %dma_start3A_485 = tpu.memref_slice %arg7[%dma_start3A_470, %dma_start3A_483, %dma_start3A_484] : memref<2x128x128xf32, #tpu.memory_space<vmem>> -> memref<1x128x128xf32, #tpu.memory_space<vmem>>
      %dma_start3A_486 = tpu.memref_squeeze %dma_start3A_485 : memref<1x128x128xf32, #tpu.memory_space<vmem>> -> memref<128x128xf32, #tpu.memory_space<vmem>>
      tpu.enqueue_dma source(%dma_start3A_486 : memref<128x128xf32, #tpu.memory_space<vmem>>) target(%dma_start3A_482 : memref<128x128xf32, #tpu.memory_space<vmem_shared>>) target_semaphore(%arg12 : memref<!tpu.dma_semaphore, #tpu.memory_space<semaphore_mem>>)
      %dma_wait3A_487 = arith.constant 0 : i32
      %dma_wait3A_488 = arith.constant 0 : i32
      %dma_wait3A_489 = arith.constant 0 : i32
      %dma_wait3A_490 = tpu.memref_slice %arg7[%dma_wait3A_487, %dma_wait3A_488, %dma_wait3A_489] : memref<2x128x128xf32, #tpu.memory_space<vmem>> -> memref<1x128x128xf32, #tpu.memory_space<vmem>>
      %dma_wait3A_491 = tpu.memref_squeeze %dma_wait3A_490 : memref<1x128x128xf32, #tpu.memory_space<vmem>> -> memref<128x128xf32, #tpu.memory_space<vmem>>
      %dma_wait3A_492 = arith.constant 0 : i32
      %dma_wait3A_493 = arith.constant 0 : i32
      %dma_wait3A_494 = tpu.memref_slice %arg8[%arg1, %dma_wait3A_492, %dma_wait3A_493] : memref<16x128x128xf32, #tpu.memory_space<vmem_shared>> -> memref<1x128x128xf32, #tpu.memory_space<vmem_shared>>
      %dma_wait3A_495 = tpu.memref_squeeze %dma_wait3A_494 : memref<1x128x128xf32, #tpu.memory_space<vmem_shared>> -> memref<128x128xf32, #tpu.memory_space<vmem_shared>>
      %dma_wait3A_496 = arith.constant 0 : i32
      %dma_wait3A_497 = arith.constant 0 : i32
      %dma_wait3A_498 = tpu.memref_slice %arg8[%arg1, %dma_wait3A_496, %dma_wait3A_497] : memref<16x128x128xf32, #tpu.memory_space<vmem_shared>> -> memref<1x128x128xf32, #tpu.memory_space<vmem_shared>>
      %dma_wait3A_499 = tpu.memref_squeeze %dma_wait3A_498 : memref<1x128x128xf32, #tpu.memory_space<vmem_shared>> -> memref<128x128xf32, #tpu.memory_space<vmem_shared>>
      %dma_wait3A_500 = arith.constant 0 : i32
      %dma_wait3A_501 = arith.constant 0 : i32
      %dma_wait3A_502 = tpu.memref_slice %arg7[%dma_wait3A_487, %dma_wait3A_500, %dma_wait3A_501] : memref<2x128x128xf32, #tpu.memory_space<vmem>> -> memref<1x128x128xf32, #tpu.memory_space<vmem>>
      %dma_wait3A_503 = tpu.memref_squeeze %dma_wait3A_502 : memref<1x128x128xf32, #tpu.memory_space<vmem>> -> memref<128x128xf32, #tpu.memory_space<vmem>>
      tpu.wait_dma2 semaphore(%arg12 : memref<!tpu.dma_semaphore, #tpu.memory_space<semaphore_mem>>) src(%dma_wait3A_503 : memref<128x128xf32, #tpu.memory_space<vmem>>) dst(%dma_wait3A_499 : memref<128x128xf32, #tpu.memory_space<vmem_shared>>)
      %dma_start3A_504 = arith.constant 0 : i32
      %dma_start3A_505 = tpu.memref_slice %arg4[%add3A_437, %dma_start3A_504] : memref<819200x128xf32, #tpu.memory_space<hbm>> -> memref<128x128xf32, #tpu.memory_space<hbm>>
      %dma_start3A_506 = arith.constant 0 : i32
      %dma_start3A_507 = arith.constant 0 : i32
      %dma_start3A_508 = tpu.memref_slice %arg8[%arg1, %dma_start3A_506, %dma_start3A_507] : memref<16x128x128xf32, #tpu.memory_space<vmem_shared>> -> memref<1x128x128xf32, #tpu.memory_space<vmem_shared>>
      %dma_start3A_509 = tpu.memref_squeeze %dma_start3A_508 : memref<1x128x128xf32, #tpu.memory_space<vmem_shared>> -> memref<128x128xf32, #tpu.memory_space<vmem_shared>>
      tpu.enqueue_dma source(%dma_start3A_509 : memref<128x128xf32, #tpu.memory_space<vmem_shared>>) target(%dma_start3A_505 : memref<128x128xf32, #tpu.memory_space<hbm>>) target_semaphore(%arg13 : memref<!tpu.dma_semaphore, #tpu.memory_space<semaphore_mem>>)
      %mul3A_510 = arith.constant 1024 : i32
      %mul3A_511 = arith.muli %scan3A_101, %mul3A_510 : i32
      %add3A_512 = arith.addi %mul3A_2, %mul3A_511 : i32
      %add3A_513 = arith.constant 768 : i32
      %add3A_514 = arith.addi %add3A_512, %add3A_513 : i32
      %dma_wait3A_515 = arith.constant 0 : i32
      %dma_wait3A_516 = arith.constant 0 : i32
      %dma_wait3A_517 = arith.constant 0 : i32
      %dma_wait3A_518 = tpu.memref_slice %arg6[%dma_wait3A_515, %dma_wait3A_516, %dma_wait3A_517] : memref<4x128x128xf32, #tpu.memory_space<vmem>> -> memref<1x128x128xf32, #tpu.memory_space<vmem>>
      %dma_wait3A_519 = tpu.memref_squeeze %dma_wait3A_518 : memref<1x128x128xf32, #tpu.memory_space<vmem>> -> memref<128x128xf32, #tpu.memory_space<vmem>>
      %dma_wait3A_520 = arith.constant 0 : i32
      %dma_wait3A_521 = arith.constant 0 : i32
      %dma_wait3A_522 = tpu.memref_slice %arg4[%dma_wait3A_520, %dma_wait3A_521] : memref<819200x128xf32, #tpu.memory_space<hbm>> -> memref<128x128xf32, #tpu.memory_space<hbm>>
      %dma_wait3A_523 = arith.constant 0 : i32
      %dma_wait3A_524 = arith.constant 0 : i32
      %dma_wait3A_525 = tpu.memref_slice %arg4[%dma_wait3A_523, %dma_wait3A_524] : memref<819200x128xf32, #tpu.memory_space<hbm>> -> memref<128x128xf32, #tpu.memory_space<hbm>>
      %dma_wait3A_526 = arith.constant 0 : i32
      %dma_wait3A_527 = arith.constant 0 : i32
      %dma_wait3A_528 = tpu.memref_slice %arg6[%dma_wait3A_515, %dma_wait3A_526, %dma_wait3A_527] : memref<4x128x128xf32, #tpu.memory_space<vmem>> -> memref<1x128x128xf32, #tpu.memory_space<vmem>>
      %dma_wait3A_529 = tpu.memref_squeeze %dma_wait3A_528 : memref<1x128x128xf32, #tpu.memory_space<vmem>> -> memref<128x128xf32, #tpu.memory_space<vmem>>
      tpu.wait_dma2 semaphore(%arg11 : memref<!tpu.dma_semaphore, #tpu.memory_space<semaphore_mem>>) src(%dma_wait3A_529 : memref<128x128xf32, #tpu.memory_space<vmem>>) dst(%dma_wait3A_525 : memref<128x128xf32, #tpu.memory_space<hbm>>)
      %lt3A_530 = arith.constant 24 : i32
      %lt3A_531 = arith.cmpi slt, %scan3A_101, %lt3A_530 : i32
      %convert_element_type3A_532 = arith.extui %lt3A_531 : i1 to i32
      %cond3A_533 = arith.constant 0 : i32
      %cond3A_534 = arith.cmpi ne, %convert_element_type3A_532, %cond3A_533 : i32
      scf.if %cond3A_534 {
        %dma_wait3A_632 = arith.constant 0 : i32
        %dma_wait3A_633 = arith.constant 0 : i32
        %dma_wait3A_634 = tpu.memref_slice %arg5[%select_n3A_134, %dma_wait3A_632, %dma_wait3A_633] : memref<2x8x128xi32, #tpu.memory_space<vmem>> -> memref<1x8x128xi32, #tpu.memory_space<vmem>>
        %dma_wait3A_635 = tpu.memref_squeeze %dma_wait3A_634 : memref<1x8x128xi32, #tpu.memory_space<vmem>> -> memref<8x128xi32, #tpu.memory_space<vmem>>
        %dma_wait3A_636 = arith.constant 0 : i32
        %dma_wait3A_637 = arith.constant 0 : i32
        %dma_wait3A_638 = tpu.memref_slice %arg2[%dma_wait3A_636, %dma_wait3A_637] : memref<6400x128xi32, #tpu.memory_space<hbm>> -> memref<8x128xi32, #tpu.memory_space<hbm>>
        %dma_wait3A_639 = arith.constant 0 : i32
        %dma_wait3A_640 = arith.constant 0 : i32
        %dma_wait3A_641 = tpu.memref_slice %arg5[%select_n3A_134, %dma_wait3A_639, %dma_wait3A_640] : memref<2x8x128xi32, #tpu.memory_space<vmem>> -> memref<1x8x128xi32, #tpu.memory_space<vmem>>
        %dma_wait3A_642 = tpu.memref_squeeze %dma_wait3A_641 : memref<1x8x128xi32, #tpu.memory_space<vmem>> -> memref<8x128xi32, #tpu.memory_space<vmem>>
        %dma_wait3A_643 = arith.constant 0 : i32
        %dma_wait3A_644 = arith.constant 0 : i32
        %dma_wait3A_645 = tpu.memref_slice %arg2[%dma_wait3A_643, %dma_wait3A_644] : memref<6400x128xi32, #tpu.memory_space<hbm>> -> memref<8x128xi32, #tpu.memory_space<hbm>>
        tpu.wait_dma2 semaphore(%arg14 : memref<!tpu.dma_semaphore, #tpu.memory_space<semaphore_mem>>) src(%dma_wait3A_645 : memref<8x128xi32, #tpu.memory_space<hbm>>) dst(%dma_wait3A_642 : memref<8x128xi32, #tpu.memory_space<vmem>>)
        %dma_start3A_646 = arith.constant 0 : i32
        %dma_start3A_647 = arith.constant 0 : i32
        %dma_start3A_648 = arith.constant 0 : i32
        %dma_start3A_649 = arith.constant 0 : i32
        %dma_start3A_650 = tpu.memref_slice %arg6[%dma_start3A_647, %dma_start3A_648, %dma_start3A_649] : memref<4x128x128xf32, #tpu.memory_space<vmem>> -> memref<1x128x128xf32, #tpu.memory_space<vmem>>
        %dma_start3A_651 = tpu.memref_squeeze %dma_start3A_650 : memref<1x128x128xf32, #tpu.memory_space<vmem>> -> memref<128x128xf32, #tpu.memory_space<vmem>>
        %dma_start3A_652 = arith.constant 0 : i32
        %dma_start3A_653 = tpu.memref_slice %arg5[%select_n3A_134, %dma_start3A_646, %dma_start3A_652] : memref<2x8x128xi32, #tpu.memory_space<vmem>> -> memref<1x1x128xi32, #tpu.memory_space<vmem>>
        %dma_start3A_654 = tpu.memref_squeeze %dma_start3A_653 : memref<1x1x128xi32, #tpu.memory_space<vmem>> -> memref<128xi32, #tpu.memory_space<vmem>>
        %dma_start3A_655 = arith.constant 0 : i32
        %dma_start3A_656 = arith.constant 0 : i32
        %dma_start3A_657 = tpu.memref_slice %arg3[%dma_start3A_655, %dma_start3A_656] : memref<100000x128xf32, #tpu.memory_space<hbm>> -> memref<100000x128xf32, #tpu.memory_space<hbm>>
        tpu.enqueue_indirect_dma source(%dma_start3A_657 : memref<100000x128xf32, #tpu.memory_space<hbm>>) target(%dma_start3A_651 : memref<128x128xf32, #tpu.memory_space<vmem>>) offsets(%dma_start3A_654 : memref<128xi32, #tpu.memory_space<vmem>>) semaphore(%arg9 : memref<!tpu.dma_semaphore, #tpu.memory_space<semaphore_mem>>)
      } else {
      }
      %dma_wait3A_535 = arith.constant 0 : i32
      %dma_wait3A_536 = arith.constant 0 : i32
      %dma_wait3A_537 = arith.constant 0 : i32
      %dma_wait3A_538 = arith.constant 0 : i32
      %dma_wait3A_539 = arith.constant 0 : i32
      %dma_wait3A_540 = tpu.memref_slice %arg6[%dma_wait3A_537, %dma_wait3A_538, %dma_wait3A_539] : memref<4x128x128xf32, #tpu.memory_space<vmem>> -> memref<1x128x128xf32, #tpu.memory_space<vmem>>
      %dma_wait3A_541 = tpu.memref_squeeze %dma_wait3A_540 : memref<1x128x128xf32, #tpu.memory_space<vmem>> -> memref<128x128xf32, #tpu.memory_space<vmem>>
      %dma_wait3A_542 = arith.constant 0 : i32
      %dma_wait3A_543 = tpu.memref_slice %arg5[%dma_wait3A_535, %dma_wait3A_536, %dma_wait3A_542] : memref<2x8x128xi32, #tpu.memory_space<vmem>> -> memref<1x1x128xi32, #tpu.memory_space<vmem>>
      %dma_wait3A_544 = tpu.memref_squeeze %dma_wait3A_543 : memref<1x1x128xi32, #tpu.memory_space<vmem>> -> memref<128xi32, #tpu.memory_space<vmem>>
      %dma_wait3A_545 = arith.constant 0 : i32
      %dma_wait3A_546 = arith.constant 0 : i32
      %dma_wait3A_547 = tpu.memref_slice %arg3[%dma_wait3A_545, %dma_wait3A_546] : memref<100000x128xf32, #tpu.memory_space<hbm>> -> memref<100000x128xf32, #tpu.memory_space<hbm>>
      tpu.wait_indirect_dma semaphore(%arg9 : memref<!tpu.dma_semaphore, #tpu.memory_space<semaphore_mem>>) src(%dma_wait3A_547 : memref<100000x128xf32, #tpu.memory_space<hbm>>) dst(%dma_wait3A_541 : memref<128x128xf32, #tpu.memory_space<vmem>>)
      %dma_start3A_548 = arith.constant 3 : i32
      %dma_start3A_549 = arith.constant 0 : i32
      %dma_start3A_550 = arith.constant 0 : i32
      %dma_start3A_551 = tpu.memref_slice %arg6[%dma_start3A_548, %dma_start3A_549, %dma_start3A_550] : memref<4x128x128xf32, #tpu.memory_space<vmem>> -> memref<1x128x128xf32, #tpu.memory_space<vmem>>
      %dma_start3A_552 = tpu.memref_squeeze %dma_start3A_551 : memref<1x128x128xf32, #tpu.memory_space<vmem>> -> memref<128x128xf32, #tpu.memory_space<vmem>>
      %dma_start3A_553 = arith.constant 0 : i32
      %dma_start3A_554 = tpu.memref_slice %arg4[%add3A_514, %dma_start3A_553] : memref<819200x128xf32, #tpu.memory_space<hbm>> -> memref<128x128xf32, #tpu.memory_space<hbm>>
      %dma_start3A_555 = arith.constant 0 : i32
      %dma_start3A_556 = tpu.memref_slice %arg4[%add3A_514, %dma_start3A_555] : memref<819200x128xf32, #tpu.memory_space<hbm>> -> memref<128x128xf32, #tpu.memory_space<hbm>>
      %dma_start3A_557 = arith.constant 0 : i32
      %dma_start3A_558 = arith.constant 0 : i32
      %dma_start3A_559 = tpu.memref_slice %arg6[%dma_start3A_548, %dma_start3A_557, %dma_start3A_558] : memref<4x128x128xf32, #tpu.memory_space<vmem>> -> memref<1x128x128xf32, #tpu.memory_space<vmem>>
      %dma_start3A_560 = tpu.memref_squeeze %dma_start3A_559 : memref<1x128x128xf32, #tpu.memory_space<vmem>> -> memref<128x128xf32, #tpu.memory_space<vmem>>
      tpu.enqueue_dma source(%dma_start3A_560 : memref<128x128xf32, #tpu.memory_space<vmem>>) target(%dma_start3A_556 : memref<128x128xf32, #tpu.memory_space<hbm>>) target_semaphore(%arg11 : memref<!tpu.dma_semaphore, #tpu.memory_space<semaphore_mem>>)
      %mul3A_561 = arith.constant 1024 : i32
      %mul3A_562 = arith.muli %scan3A_101, %mul3A_561 : i32
      %add3A_563 = arith.addi %mul3A_2, %mul3A_562 : i32
      %add3A_564 = arith.constant 896 : i32
      %add3A_565 = arith.addi %add3A_563, %add3A_564 : i32
      %lt3A_566 = arith.constant 24 : i32
      %lt3A_567 = arith.cmpi slt, %scan3A_101, %lt3A_566 : i32
      %convert_element_type3A_568 = arith.extui %lt3A_567 : i1 to i32
      %cond3A_569 = arith.constant 0 : i32
      %cond3A_570 = arith.cmpi ne, %convert_element_type3A_568, %cond3A_569 : i32
      scf.if %cond3A_570 {
        %dma_start3A_632 = arith.constant 1 : i32
        %dma_start3A_633 = arith.constant 0 : i32
        %dma_start3A_634 = arith.constant 0 : i32
        %dma_start3A_635 = arith.constant 0 : i32
        %dma_start3A_636 = tpu.memref_slice %arg7[%dma_start3A_633, %dma_start3A_634, %dma_start3A_635] : memref<2x128x128xf32, #tpu.memory_space<vmem>> -> memref<1x128x128xf32, #tpu.memory_space<vmem>>
        %dma_start3A_637 = tpu.memref_squeeze %dma_start3A_636 : memref<1x128x128xf32, #tpu.memory_space<vmem>> -> memref<128x128xf32, #tpu.memory_space<vmem>>
        %dma_start3A_638 = arith.constant 0 : i32
        %dma_start3A_639 = tpu.memref_slice %arg5[%select_n3A_134, %dma_start3A_632, %dma_start3A_638] : memref<2x8x128xi32, #tpu.memory_space<vmem>> -> memref<1x1x128xi32, #tpu.memory_space<vmem>>
        %dma_start3A_640 = tpu.memref_squeeze %dma_start3A_639 : memref<1x1x128xi32, #tpu.memory_space<vmem>> -> memref<128xi32, #tpu.memory_space<vmem>>
        %dma_start3A_641 = arith.constant 0 : i32
        %dma_start3A_642 = arith.constant 0 : i32
        %dma_start3A_643 = tpu.memref_slice %arg3[%dma_start3A_641, %dma_start3A_642] : memref<100000x128xf32, #tpu.memory_space<hbm>> -> memref<100000x128xf32, #tpu.memory_space<hbm>>
        tpu.enqueue_indirect_dma source(%dma_start3A_643 : memref<100000x128xf32, #tpu.memory_space<hbm>>) target(%dma_start3A_637 : memref<128x128xf32, #tpu.memory_space<vmem>>) offsets(%dma_start3A_640 : memref<128xi32, #tpu.memory_space<vmem>>) semaphore(%arg10 : memref<!tpu.dma_semaphore, #tpu.memory_space<semaphore_mem>>)
      } else {
      }
      %dma_wait3A_571 = arith.constant 0 : i32
      %dma_wait3A_572 = arith.constant 0 : i32
      %dma_wait3A_573 = arith.constant 0 : i32
      %dma_wait3A_574 = arith.constant 0 : i32
      %dma_wait3A_575 = arith.constant 0 : i32
      %dma_wait3A_576 = tpu.memref_slice %arg6[%dma_wait3A_573, %dma_wait3A_574, %dma_wait3A_575] : memref<4x128x128xf32, #tpu.memory_space<vmem>> -> memref<1x128x128xf32, #tpu.memory_space<vmem>>
      %dma_wait3A_577 = tpu.memref_squeeze %dma_wait3A_576 : memref<1x128x128xf32, #tpu.memory_space<vmem>> -> memref<128x128xf32, #tpu.memory_space<vmem>>
      %dma_wait3A_578 = arith.constant 0 : i32
      %dma_wait3A_579 = tpu.memref_slice %arg5[%dma_wait3A_571, %dma_wait3A_572, %dma_wait3A_578] : memref<2x8x128xi32, #tpu.memory_space<vmem>> -> memref<1x1x128xi32, #tpu.memory_space<vmem>>
      %dma_wait3A_580 = tpu.memref_squeeze %dma_wait3A_579 : memref<1x1x128xi32, #tpu.memory_space<vmem>> -> memref<128xi32, #tpu.memory_space<vmem>>
      %dma_wait3A_581 = arith.constant 0 : i32
      %dma_wait3A_582 = arith.constant 0 : i32
      %dma_wait3A_583 = tpu.memref_slice %arg3[%dma_wait3A_581, %dma_wait3A_582] : memref<100000x128xf32, #tpu.memory_space<hbm>> -> memref<100000x128xf32, #tpu.memory_space<hbm>>
      tpu.wait_indirect_dma semaphore(%arg10 : memref<!tpu.dma_semaphore, #tpu.memory_space<semaphore_mem>>) src(%dma_wait3A_583 : memref<100000x128xf32, #tpu.memory_space<hbm>>) dst(%dma_wait3A_577 : memref<128x128xf32, #tpu.memory_space<vmem>>)
      %dma_wait3A_584 = arith.constant 0 : i32
      %dma_wait3A_585 = arith.constant 0 : i32
      %dma_wait3A_586 = tpu.memref_slice %arg4[%dma_wait3A_584, %dma_wait3A_585] : memref<819200x128xf32, #tpu.memory_space<hbm>> -> memref<128x128xf32, #tpu.memory_space<hbm>>
      %dma_wait3A_587 = arith.constant 0 : i32
      %dma_wait3A_588 = arith.constant 0 : i32
      %dma_wait3A_589 = tpu.memref_slice %arg8[%arg1, %dma_wait3A_587, %dma_wait3A_588] : memref<16x128x128xf32, #tpu.memory_space<vmem_shared>> -> memref<1x128x128xf32, #tpu.memory_space<vmem_shared>>
      %dma_wait3A_590 = tpu.memref_squeeze %dma_wait3A_589 : memref<1x128x128xf32, #tpu.memory_space<vmem_shared>> -> memref<128x128xf32, #tpu.memory_space<vmem_shared>>
      tpu.wait_dma2 semaphore(%arg13 : memref<!tpu.dma_semaphore, #tpu.memory_space<semaphore_mem>>) src(%dma_wait3A_590 : memref<128x128xf32, #tpu.memory_space<vmem_shared>>) dst(%dma_wait3A_586 : memref<128x128xf32, #tpu.memory_space<hbm>>)
      %dma_start3A_591 = arith.constant 1 : i32
      %dma_start3A_592 = arith.constant 0 : i32
      %dma_start3A_593 = arith.constant 0 : i32
      %dma_start3A_594 = tpu.memref_slice %arg7[%dma_start3A_591, %dma_start3A_592, %dma_start3A_593] : memref<2x128x128xf32, #tpu.memory_space<vmem>> -> memref<1x128x128xf32, #tpu.memory_space<vmem>>
      %dma_start3A_595 = tpu.memref_squeeze %dma_start3A_594 : memref<1x128x128xf32, #tpu.memory_space<vmem>> -> memref<128x128xf32, #tpu.memory_space<vmem>>
      %dma_start3A_596 = arith.constant 0 : i32
      %dma_start3A_597 = arith.constant 0 : i32
      %dma_start3A_598 = tpu.memref_slice %arg8[%arg1, %dma_start3A_596, %dma_start3A_597] : memref<16x128x128xf32, #tpu.memory_space<vmem_shared>> -> memref<1x128x128xf32, #tpu.memory_space<vmem_shared>>
      %dma_start3A_599 = tpu.memref_squeeze %dma_start3A_598 : memref<1x128x128xf32, #tpu.memory_space<vmem_shared>> -> memref<128x128xf32, #tpu.memory_space<vmem_shared>>
      %dma_start3A_600 = arith.constant 0 : i32
      %dma_start3A_601 = arith.constant 0 : i32
      %dma_start3A_602 = tpu.memref_slice %arg8[%arg1, %dma_start3A_600, %dma_start3A_601] : memref<16x128x128xf32, #tpu.memory_space<vmem_shared>> -> memref<1x128x128xf32, #tpu.memory_space<vmem_shared>>
      %dma_start3A_603 = tpu.memref_squeeze %dma_start3A_602 : memref<1x128x128xf32, #tpu.memory_space<vmem_shared>> -> memref<128x128xf32, #tpu.memory_space<vmem_shared>>
      %dma_start3A_604 = arith.constant 0 : i32
      %dma_start3A_605 = arith.constant 0 : i32
      %dma_start3A_606 = tpu.memref_slice %arg7[%dma_start3A_591, %dma_start3A_604, %dma_start3A_605] : memref<2x128x128xf32, #tpu.memory_space<vmem>> -> memref<1x128x128xf32, #tpu.memory_space<vmem>>
      %dma_start3A_607 = tpu.memref_squeeze %dma_start3A_606 : memref<1x128x128xf32, #tpu.memory_space<vmem>> -> memref<128x128xf32, #tpu.memory_space<vmem>>
      tpu.enqueue_dma source(%dma_start3A_607 : memref<128x128xf32, #tpu.memory_space<vmem>>) target(%dma_start3A_603 : memref<128x128xf32, #tpu.memory_space<vmem_shared>>) target_semaphore(%arg12 : memref<!tpu.dma_semaphore, #tpu.memory_space<semaphore_mem>>)
      %dma_wait3A_608 = arith.constant 0 : i32
      %dma_wait3A_609 = arith.constant 0 : i32
      %dma_wait3A_610 = arith.constant 0 : i32
      %dma_wait3A_611 = tpu.memref_slice %arg7[%dma_wait3A_608, %dma_wait3A_609, %dma_wait3A_610] : memref<2x128x128xf32, #tpu.memory_space<vmem>> -> memref<1x128x128xf32, #tpu.memory_space<vmem>>
      %dma_wait3A_612 = tpu.memref_squeeze %dma_wait3A_611 : memref<1x128x128xf32, #tpu.memory_space<vmem>> -> memref<128x128xf32, #tpu.memory_space<vmem>>
      %dma_wait3A_613 = arith.constant 0 : i32
      %dma_wait3A_614 = arith.constant 0 : i32
      %dma_wait3A_615 = tpu.memref_slice %arg8[%arg1, %dma_wait3A_613, %dma_wait3A_614] : memref<16x128x128xf32, #tpu.memory_space<vmem_shared>> -> memref<1x128x128xf32, #tpu.memory_space<vmem_shared>>
      %dma_wait3A_616 = tpu.memref_squeeze %dma_wait3A_615 : memref<1x128x128xf32, #tpu.memory_space<vmem_shared>> -> memref<128x128xf32, #tpu.memory_space<vmem_shared>>
      %dma_wait3A_617 = arith.constant 0 : i32
      %dma_wait3A_618 = arith.constant 0 : i32
      %dma_wait3A_619 = tpu.memref_slice %arg8[%arg1, %dma_wait3A_617, %dma_wait3A_618] : memref<16x128x128xf32, #tpu.memory_space<vmem_shared>> -> memref<1x128x128xf32, #tpu.memory_space<vmem_shared>>
      %dma_wait3A_620 = tpu.memref_squeeze %dma_wait3A_619 : memref<1x128x128xf32, #tpu.memory_space<vmem_shared>> -> memref<128x128xf32, #tpu.memory_space<vmem_shared>>
      %dma_wait3A_621 = arith.constant 0 : i32
      %dma_wait3A_622 = arith.constant 0 : i32
      %dma_wait3A_623 = tpu.memref_slice %arg7[%dma_wait3A_608, %dma_wait3A_621, %dma_wait3A_622] : memref<2x128x128xf32, #tpu.memory_space<vmem>> -> memref<1x128x128xf32, #tpu.memory_space<vmem>>
      %dma_wait3A_624 = tpu.memref_squeeze %dma_wait3A_623 : memref<1x128x128xf32, #tpu.memory_space<vmem>> -> memref<128x128xf32, #tpu.memory_space<vmem>>
      tpu.wait_dma2 semaphore(%arg12 : memref<!tpu.dma_semaphore, #tpu.memory_space<semaphore_mem>>) src(%dma_wait3A_624 : memref<128x128xf32, #tpu.memory_space<vmem>>) dst(%dma_wait3A_620 : memref<128x128xf32, #tpu.memory_space<vmem_shared>>)
      %dma_start3A_625 = arith.constant 0 : i32
      %dma_start3A_626 = tpu.memref_slice %arg4[%add3A_565, %dma_start3A_625] : memref<819200x128xf32, #tpu.memory_space<hbm>> -> memref<128x128xf32, #tpu.memory_space<hbm>>
      %dma_start3A_627 = arith.constant 0 : i32
      %dma_start3A_628 = arith.constant 0 : i32
      %dma_start3A_629 = tpu.memref_slice %arg8[%arg1, %dma_start3A_627, %dma_start3A_628] : memref<16x128x128xf32, #tpu.memory_space<vmem_shared>> -> memref<1x128x128xf32, #tpu.memory_space<vmem_shared>>
      %dma_start3A_630 = tpu.memref_squeeze %dma_start3A_629 : memref<1x128x128xf32, #tpu.memory_space<vmem_shared>> -> memref<128x128xf32, #tpu.memory_space<vmem_shared>>
      tpu.enqueue_dma source(%dma_start3A_630 : memref<128x128xf32, #tpu.memory_space<vmem_shared>>) target(%dma_start3A_626 : memref<128x128xf32, #tpu.memory_space<hbm>>) target_semaphore(%arg13 : memref<!tpu.dma_semaphore, #tpu.memory_space<semaphore_mem>>)
      %scan3A_631 = arith.constant 0 : i32
      scf.yield %scan3A_631 : i32
    }
    %scan3A_49 = arith.constant 25 : i32
    %dma_wait3A = arith.constant 0 : i32
    %dma_wait3A_50 = arith.constant 0 : i32
    %dma_wait3A_51 = arith.constant 0 : i32
    %dma_wait3A_52 = tpu.memref_slice %arg6[%dma_wait3A, %dma_wait3A_50, %dma_wait3A_51] : memref<4x128x128xf32, #tpu.memory_space<vmem>> -> memref<1x128x128xf32, #tpu.memory_space<vmem>>
    %dma_wait3A_53 = tpu.memref_squeeze %dma_wait3A_52 : memref<1x128x128xf32, #tpu.memory_space<vmem>> -> memref<128x128xf32, #tpu.memory_space<vmem>>
    %dma_wait3A_54 = arith.constant 0 : i32
    %dma_wait3A_55 = arith.constant 0 : i32
    %dma_wait3A_56 = tpu.memref_slice %arg4[%dma_wait3A_54, %dma_wait3A_55] : memref<819200x128xf32, #tpu.memory_space<hbm>> -> memref<128x128xf32, #tpu.memory_space<hbm>>
    %dma_wait3A_57 = arith.constant 0 : i32
    %dma_wait3A_58 = arith.constant 0 : i32
    %dma_wait3A_59 = tpu.memref_slice %arg4[%dma_wait3A_57, %dma_wait3A_58] : memref<819200x128xf32, #tpu.memory_space<hbm>> -> memref<128x128xf32, #tpu.memory_space<hbm>>
    %dma_wait3A_60 = arith.constant 0 : i32
    %dma_wait3A_61 = arith.constant 0 : i32
    %dma_wait3A_62 = tpu.memref_slice %arg6[%dma_wait3A, %dma_wait3A_60, %dma_wait3A_61] : memref<4x128x128xf32, #tpu.memory_space<vmem>> -> memref<1x128x128xf32, #tpu.memory_space<vmem>>
    %dma_wait3A_63 = tpu.memref_squeeze %dma_wait3A_62 : memref<1x128x128xf32, #tpu.memory_space<vmem>> -> memref<128x128xf32, #tpu.memory_space<vmem>>
    tpu.wait_dma2 semaphore(%arg11 : memref<!tpu.dma_semaphore, #tpu.memory_space<semaphore_mem>>) src(%dma_wait3A_63 : memref<128x128xf32, #tpu.memory_space<vmem>>) dst(%dma_wait3A_59 : memref<128x128xf32, #tpu.memory_space<hbm>>)
    %dma_wait3A_64 = arith.constant 0 : i32
    %dma_wait3A_65 = arith.constant 0 : i32
    %dma_wait3A_66 = arith.constant 0 : i32
    %dma_wait3A_67 = tpu.memref_slice %arg6[%dma_wait3A_64, %dma_wait3A_65, %dma_wait3A_66] : memref<4x128x128xf32, #tpu.memory_space<vmem>> -> memref<1x128x128xf32, #tpu.memory_space<vmem>>
    %dma_wait3A_68 = tpu.memref_squeeze %dma_wait3A_67 : memref<1x128x128xf32, #tpu.memory_space<vmem>> -> memref<128x128xf32, #tpu.memory_space<vmem>>
    %dma_wait3A_69 = arith.constant 0 : i32
    %dma_wait3A_70 = arith.constant 0 : i32
    %dma_wait3A_71 = tpu.memref_slice %arg4[%dma_wait3A_69, %dma_wait3A_70] : memref<819200x128xf32, #tpu.memory_space<hbm>> -> memref<128x128xf32, #tpu.memory_space<hbm>>
    %dma_wait3A_72 = arith.constant 0 : i32
    %dma_wait3A_73 = arith.constant 0 : i32
    %dma_wait3A_74 = tpu.memref_slice %arg4[%dma_wait3A_72, %dma_wait3A_73] : memref<819200x128xf32, #tpu.memory_space<hbm>> -> memref<128x128xf32, #tpu.memory_space<hbm>>
    %dma_wait3A_75 = arith.constant 0 : i32
    %dma_wait3A_76 = arith.constant 0 : i32
    %dma_wait3A_77 = tpu.memref_slice %arg6[%dma_wait3A_64, %dma_wait3A_75, %dma_wait3A_76] : memref<4x128x128xf32, #tpu.memory_space<vmem>> -> memref<1x128x128xf32, #tpu.memory_space<vmem>>
    %dma_wait3A_78 = tpu.memref_squeeze %dma_wait3A_77 : memref<1x128x128xf32, #tpu.memory_space<vmem>> -> memref<128x128xf32, #tpu.memory_space<vmem>>
    tpu.wait_dma2 semaphore(%arg11 : memref<!tpu.dma_semaphore, #tpu.memory_space<semaphore_mem>>) src(%dma_wait3A_78 : memref<128x128xf32, #tpu.memory_space<vmem>>) dst(%dma_wait3A_74 : memref<128x128xf32, #tpu.memory_space<hbm>>)
    %dma_wait3A_79 = arith.constant 0 : i32
    %dma_wait3A_80 = arith.constant 0 : i32
    %dma_wait3A_81 = arith.constant 0 : i32
    %dma_wait3A_82 = tpu.memref_slice %arg6[%dma_wait3A_79, %dma_wait3A_80, %dma_wait3A_81] : memref<4x128x128xf32, #tpu.memory_space<vmem>> -> memref<1x128x128xf32, #tpu.memory_space<vmem>>
    %dma_wait3A_83 = tpu.memref_squeeze %dma_wait3A_82 : memref<1x128x128xf32, #tpu.memory_space<vmem>> -> memref<128x128xf32, #tpu.memory_space<vmem>>
    %dma_wait3A_84 = arith.constant 0 : i32
    %dma_wait3A_85 = arith.constant 0 : i32
    %dma_wait3A_86 = tpu.memref_slice %arg4[%dma_wait3A_84, %dma_wait3A_85] : memref<819200x128xf32, #tpu.memory_space<hbm>> -> memref<128x128xf32, #tpu.memory_space<hbm>>
    %dma_wait3A_87 = arith.constant 0 : i32
    %dma_wait3A_88 = arith.constant 0 : i32
    %dma_wait3A_89 = tpu.memref_slice %arg4[%dma_wait3A_87, %dma_wait3A_88] : memref<819200x128xf32, #tpu.memory_space<hbm>> -> memref<128x128xf32, #tpu.memory_space<hbm>>
    %dma_wait3A_90 = arith.constant 0 : i32
    %dma_wait3A_91 = arith.constant 0 : i32
    %dma_wait3A_92 = tpu.memref_slice %arg6[%dma_wait3A_79, %dma_wait3A_90, %dma_wait3A_91] : memref<4x128x128xf32, #tpu.memory_space<vmem>> -> memref<1x128x128xf32, #tpu.memory_space<vmem>>
    %dma_wait3A_93 = tpu.memref_squeeze %dma_wait3A_92 : memref<1x128x128xf32, #tpu.memory_space<vmem>> -> memref<128x128xf32, #tpu.memory_space<vmem>>
    tpu.wait_dma2 semaphore(%arg11 : memref<!tpu.dma_semaphore, #tpu.memory_space<semaphore_mem>>) src(%dma_wait3A_93 : memref<128x128xf32, #tpu.memory_space<vmem>>) dst(%dma_wait3A_89 : memref<128x128xf32, #tpu.memory_space<hbm>>)
    %dma_wait3A_94 = arith.constant 0 : i32
    %dma_wait3A_95 = arith.constant 0 : i32
    %dma_wait3A_96 = tpu.memref_slice %arg4[%dma_wait3A_94, %dma_wait3A_95] : memref<819200x128xf32, #tpu.memory_space<hbm>> -> memref<128x128xf32, #tpu.memory_space<hbm>>
    %dma_wait3A_97 = arith.constant 0 : i32
    %dma_wait3A_98 = arith.constant 0 : i32
    %dma_wait3A_99 = tpu.memref_slice %arg8[%arg1, %dma_wait3A_97, %dma_wait3A_98] : memref<16x128x128xf32, #tpu.memory_space<vmem_shared>> -> memref<1x128x128xf32, #tpu.memory_space<vmem_shared>>
    %dma_wait3A_100 = tpu.memref_squeeze %dma_wait3A_99 : memref<1x128x128xf32, #tpu.memory_space<vmem_shared>> -> memref<128x128xf32, #tpu.memory_space<vmem_shared>>
    tpu.wait_dma2 semaphore(%arg13 : memref<!tpu.dma_semaphore, #tpu.memory_space<semaphore_mem>>) src(%dma_wait3A_100 : memref<128x128xf32, #tpu.memory_space<vmem_shared>>) dst(%dma_wait3A_96 : memref<128x128xf32, #tpu.memory_space<hbm>>)
    return
  }
}

</mosaic_0001>

<sc_bundles>
// kernel: kernel.3.cloned.1.call-start
scs
__scs_entry_jumppad:
0x0: {  	(pc) =	sbr.rel $0x88, $3  }
0x1: {  	(tag) =	ssettag $0x0;
	lr =	simm.s32 $0x1  }
0x2: {  	[smem:$0x3F9F] =	sst lr;
	_ =	strace $0xD0000000  }
0x3: {  	_ = 	snop  }
0x4: {  	_ = 	snop  }
0x5: {  	_ = 	snop  }
0x6: {  	_ = 	snop  }
0x7: {  	_ = 	snop  }
__scs_overlays_trampoline_lowered:
0x8: {  	[smem:$0x3FAE] =	sst s0  }
0x9: {  	[smem:$0x3FAF] =	sst s1  }
0xa: {  	[smem:$0x3FB0] =	sst s2  }
0xb: {  	[smem:$0x3FB1] =	sst s3  }
0xc: {  	[smem:$0x3FB2] =	sst s4  }
0xd: {  	[smem:$0x3FB3] =	sst s5  }
0xe: {  	[smem:$0x3FB4] =	sst s6  }
0xf: {  	[smem:$0x3FB5] =	sst s7  }
0x10: {  	[smem:$0x3FB6] =	sst s8  }
0x11: {  	[smem:$0x3FB7] =	sst s9;
	s0 =	simm.s32 @!p0 $0x0  }
0x12: {  	s1 =	sld [smem:$0x3F9D];
	s0 =	simm.s32 @p0 $0x1  }
0x13: {  	[smem:$0x3FB8] =	sst s0;
	s0 =	simm.s32 @!p1 $0x0  }
0x14: {  	s2 =	sld [smem:$0x3F9C];
	s0 =	simm.s32 @p1 $0x1  }
0x15: {  	[smem:$0x3FB9] =	sst s0;
	s0 =	simm.s32 @!p2 $0x0  }
0x16: {  	s3 =	sld [smem:$0x3FDB];
	s0 =	simm.s32 @p2 $0x1  }
0x17: {  	s4 =	simm.s32 $0x1BF5;
	[smem:$0x3FBB] =	sst s0  }
0x18: {  	s0 =	sld [smem:$0x3F9E];
	_ =	swait.ge [sflag:s4], $0x0  }
0x19: {  	s7 =	sld [smem:$0x3F9F]  }
0x1a: {  	s8 =	sadd.s32 $0xFFFFE003, lr  }
0x1b: {  	s9 =	sadd.s32 $0xFFFFFEF7, lr;
	s5 =	simm.s32 $0xFFFFFFFF;
	p2 =	slt.u32 s8, $0xFFFFF086  }
0x1c: {  	p1 =	slt.u32 s9, $0xF7A;
	s5 =	simm.s32 @!p2 $0x0  }
0x1d: {  	s5 =	simm.s32 @p1 $0x1;
	p0 =	seq.s32 s7, s2  }
0x1e: {  	s7 =	smul.u32 @!p0 $0xF7A, s2;
	p2 =	seq.s32 @!p0 s5, $0x0  }
0x1f: {  	s9 =	smul.u32 $0xF7A, s1;
	s8 =	simm.s32 @!p0 $0x1BF5;
	p2 =	por !p2, p0  }
0x20: {  	[sflag:s8] =	ssyncset.s32 @!p0 $0xFFFFF086;
	s6 =	sadd.s32 @!p0 s3, s7;
	s7 =	simm.s32 @!p0 $0x108  }
0x21: {  	s3 =	sadd.s32 s3, s9;
	s6 =	sadd.s32 @!p0 $0x88, s6;
	s7 =	simm.s32 @p2 $0x1082  }
0x22: {  	[simem:s7], [sflag:s8] =	dma.local @!p0 [hbm:s6], $0xF7A  }
0x23: {  	s9 =	sor.u32 $0xD0000000, s2;
	s6 =	simm.s32 $0x108;
	_ =	swait.ge @!p0 [sflag:s8], $0x0  }
0x24: {  	s3 =	sadd.s32 $0x88, s3;
	s6 =	simm.s32 @!p1 $0x1082;
	[sflag:s4] =	ssyncset.s32 $0xFFFFF086  }
0x25: {  	[simem:s6], [sflag:s4] =	dma.local [hbm:s3], $0xF7A  }
0x26: {  	[smem:$0x3F9F] =	sst s1;
	(tag) =	ssettag s2;
	_ =	strace s9  }
0x27: {  	s1 =	sld [smem:$0x3FAF]  }
0x28: {  	s2 =	sld [smem:$0x3FB0]  }
0x29: {  	s4 =	sld [smem:$0x3FB2]  }
0x2a: {  	p0 =	seq.s32 s5, $0x0;
	s5 =	sld [smem:$0x3FB3]  }
0x2b: {  	s6 =	sld [smem:$0x3FB4]  }
0x2c: {  	s7 =	sld [smem:$0x3FB5]  }
0x2d: {  	s3 =	simm.s32 $0x108;
	s8 =	sld [smem:$0x3FB6]  }
0x2e: {  	s3 =	simm.s32 @!p0 $0x1082;
	s9 =	sld [smem:$0x3FB7]  }
0x2f: {  	lr =	sadd.s32 s0, s3;
	s0 =	sld [smem:$0x3FAE]  }
0x30: {  	s3 =	sld [smem:$0x3FB1]  }
0x31: {  	[smem:$0x3FBA] =	sst s10  }
0x32: {  	s10 =	sld [smem:$0x3FB8];
	_ =	sdelay $0x3  }
0x33: {  	p0 =	seq.s32 s10, $0x1;
	s10 =	sld [smem:$0x3FBA];
	_ =	sdelay $0x3  }
0x34: {  	[smem:$0x3FBA] =	sst s10  }
0x35: {  	s10 =	sld [smem:$0x3FB9];
	_ =	sdelay $0x3  }
0x36: {  	p1 =	seq.s32 s10, $0x1;
	s10 =	sld [smem:$0x3FBA];
	_ =	sdelay $0x3  }
0x37: {  	[smem:$0x3FBA] =	sst s10  }
0x38: {  	s10 =	sld [smem:$0x3FBB]  }
0x39: {  	_ = 	snop;
	(pc) =	sbr.ind lr, $3  }
0x3a: {  	_ = 	snop  }
0x3b: {  	_ = 	snop  }
0x3c: {  	p2 =	seq.s32 s10, $0x1;
	s10 =	sld [smem:$0x3FBA]  }
0x3d: {  	_ =	shalt  }
0x3e: {  	_ =	shalt  }
0x3f: {  	_ =	shalt  }
0x40: {  	_ =	shalt  }
0x41: {  	_ =	shalt  }
0x42: {  	_ =	shalt  }
0x43: {  	_ =	shalt  }
0x44: {  	_ =	shalt  }
0x45: {  	_ =	shalt  }
0x46: {  	_ =	shalt  }
0x47: {  	_ =	shalt  }
0x48: {  	_ =	shalt  }
0x49: {  	_ =	shalt  }
0x4a: {  	_ =	shalt  }
0x4b: {  	_ =	shalt  }
0x4c: {  	_ =	shalt  }
0x4d: {  	_ =	shalt  }
0x4e: {  	_ =	shalt  }
0x4f: {  	_ =	shalt  }
0x50: {  	_ =	shalt  }
0x51: {  	_ =	shalt  }
0x52: {  	_ =	shalt  }
0x53: {  	_ =	shalt  }
0x54: {  	_ =	shalt  }
0x55: {  	_ =	shalt  }
0x56: {  	_ =	shalt  }
0x57: {  	_ =	shalt  }
0x58: {  	_ =	shalt  }
0x59: {  	_ =	shalt  }
0x5a: {  	_ =	shalt  }
0x5b: {  	_ =	shalt  }
0x5c: {  	_ =	shalt  }
0x5d: {  	_ =	shalt  }
0x5e: {  	_ =	shalt  }
0x5f: {  	_ =	shalt  }
0x60: {  	_ =	shalt  }
0x61: {  	_ =	shalt  }
0x62: {  	_ =	shalt  }
0x63: {  	_ =	shalt  }
0x64: {  	_ =	shalt  }
0x65: {  	_ =	shalt  }
0x66: {  	_ =	shalt  }
0x67: {  	_ =	shalt  }
0x68: {  	_ =	shalt  }
0x69: {  	_ =	shalt  }
0x6a: {  	_ =	shalt  }
0x6b: {  	_ =	shalt  }
0x6c: {  	_ =	shalt  }
0x6d: {  	_ =	shalt  }
0x6e: {  	_ =	shalt  }
0x6f: {  	_ =	shalt  }
0x70: {  	_ =	shalt  }
0x71: {  	_ =	shalt  }
0x72: {  	_ =	shalt  }
0x73: {  	_ =	shalt  }
0x74: {  	_ =	shalt  }
0x75: {  	_ =	shalt  }
0x76: {  	_ =	shalt  }
0x77: {  	_ =	shalt  }
0x78: {  	_ =	shalt  }
0x79: {  	_ =	shalt  }
0x7a: {  	_ =	shalt  }
0x7b: {  	_ =	shalt  }
0x7c: {  	_ =	shalt  }
0x7d: {  	_ =	shalt  }
0x7e: {  	_ =	shalt  }
0x7f: {  	_ =	shalt  }
0x80: {  	_ =	shalt  }
0x81: {  	_ =	shalt  }
0x82: {  	_ =	shalt  }
0x83: {  	_ =	shalt  }
0x84: {  	_ =	shalt  }
0x85: {  	_ =	shalt  }
0x86: {  	_ =	shalt  }
0x87: {  	_ =	shalt  }
.Lfunc_end0:
.L_simem_size_0:
called_computation_lowered:
.L_overlay_start_0:
0x88: {  	s2 =	sld [smem:$0x3FD9]  }
0x89: {  	s3 =	sld [smem:$0x3FFE];
	_ =	sdelay $0x1  }
0x8a: {  	s1 =	srdreg.scid  }
0x8b: {  	s0 =	sand.u32 $0x1, s1  }
0x8c: {  	s17 =	sshll.u32 s0, $0xA;
	s2 =	sadd.s32 s3, s2  }
0x8d: {  	s2 =	sadd.s32 s2, s17  }
0x8e: {  	[smem:$0x3FC6] =	sst s2  }
0x8f: {  	_ = 	snop  }
0x90: {  	s2 =	sld [smem:$0x3FC8]  }
0x91: {  	s18 =	sld [smem:$0x3FD0];
	(tm) =	ssettm $0x1  }
0x92: {  	s4 =	sld [smem:$0x3FFB];
	_ =	sdelay $0x3  }
0x93: {  	_ =	strace s4  }
0x94: {  	s4 =	sld [smem:$0x3FFC];
	_ =	sdelay $0x3  }
0x95: {  	_ =	strace s4  }
0x96: {  	s4 =	sld [smem:$0x3FFD];
	_ =	sdelay $0x3  }
0x97: {  	_ =	strace s4  }
0x98: {  	_ =	strace $0x8FFFFFFF  }
0x99: {  	s19 =	sld [smem:$0x3FDB];
	_ =	sdelay $0x1  }
0x9a: {  	s5 =	simm.s32 $_scs_section_size  }
0x9b: {  	s6 =	simm.s32 $_size__tile_overlayer_lowered;
	s7 =	simm.s32 $_tile_overlayer_lowered  }
0x9c: {  	s22 =	simm.s32 $0x1BFF;
	s21 =	sshll.u32 s7, $0x1;
	s4 =	sadd.s32 s5, s19  }
0x9d: {  	s8 =	simm.s32 $0x0;
	s20 =	sshll.u32 s6, $0x1;
	s6 =	sadd.s32 s21, s4  }
0x9e: {  	[timem:s8], [sflag:s22] =	dma.local [hbm:s6], s20  }
0x9f: {  	_ =	swait.ge [sflag:s22], s20  }
0xa0: {  	s5 =	ssub.s32 $0x0, s20;
	[sflag:s22] =	ssyncset.done $0x0  }
0xa1: {  	[sflag:s22] =	ssyncadd.s32 s5;
	_ =	sdelay $0x1  }
0xa2: {  	s23 =	simm.s32 $0x1B8B  }
0xa3: {  	_ =	swait.ge [sflag:s23], $0x1  }
0xa4: {  	[sflag:s23] =	ssyncset.done $0x0  }
0xa5: {  	s25 =	simm.s32 $0x1B8E;
	s24 =	sld [smem:$0x3FFE];
	[sflag:s23] =	ssyncadd.s32 $0xFFFFFFFF  }
0xa6: {  	s26 =	simm.s32 $execute0_lowered;
	[smem:$0x3FD2] =	sst s25  }
0xa7: {  	s6 =	sshll.u32 s26, $0x1;
	_ =	strace $0x80000046;
	[dreg:$0x1] =	wrdreg $0xFFFFFFFF  }
0xa8: {  	s28 =	simm.s32 $_size_execute0_lowered;
	s4 =	sadd.s32 s4, s6;
	[dreg:$0x0] =	wrdreg $0x0  }
0xa9: {  	s6 =	sshll.u32 s28, $0x1;
	[dreg:$0x2] =	wrdreg s4  }
0xaa: {  	[dreg:$0x3] =	wrdreg s6  }
0xab: {  	[dreg:$0x4] =	wrdreg $0xC0  }
0xac: {  	_ =	task [dreg:s8], $0x5FFFF  }
0xad: {  	[dreg:$0x1] =	wrdreg $0xFFFFFFFF  }
0xae: {  	[dreg:$0x0] =	wrdreg $0x60  }
0xaf: {  	[dreg:$0x2] =	wrdreg s24  }
0xb0: {  	[dreg:$0x3] =	wrdreg s2  }
0xb1: {  	[dreg:$0x4] =	wrdreg s18  }
0xb2: {  	[dreg:$0x5] =	wrdreg $0x188000  }
0xb3: {  	[dreg:$0x6] =	wrdreg $0x9  }
0xb4: {  	_ =	task.clear_ibuf [dreg:s8], $0x7FFFF;
	_ =	strace $0x90000046  }
0xb5: {  	s29 =	simm.s32 $0x9;
	_ =	strace $0x80000048  }
0xb6: {  	_ =	swait.ge [sflag:s29], $0x1  }
0xb7: {  	[sflag:s29] =	ssyncadd.s32 $0xFFFFFFFF  }
0xb8: {  	_ =	strace $0x90000048  }
0xb9: {  	_ =	sfence  }
0xba: {  	s30 =	sld [smem:$0x0];
	_ =	sdelay $0x2  }
0xbb: {  	s31 =	sshll.u32 s1, $0xD;
	s1 =	sshrl.u32 s1, $0x2  }
0xbc: {  	s3 =	sand.u32 $0x4000, s31;
	s1 =	sadd.s32 s1, s30  }
0xbd: {  	s0 =	sor.u32 s3, s0;
	s1 =	sshll.u32 s1, $0x11  }
0xbe: {  	s0 =	sor.u32 s1, s0  }
0xbf: {  	s0 =	sadd.s32 $0x8F2B, s0  }
0xc0: {  	[sflag:s0] =	ssyncadd.remote.s32 $0x1  }
0xc1: {  	_ =	sfence.sel $0xFFFF  }
0xc2: {  	[dreg:$0x0] =	wrdreg $0xFFFFFFFF;
	(pc) =	sbr.abs _section_cstart, $3  }
0xc3: {  	[dreg:$0x1] =	wrdreg $0xFFFFFFFF  }
0xc4: {  	_ =	task.clear_ibuf [dreg:s8], $0x2FFFF;
	_ =	strace $0x9FFFFFFF  }
0xc5: {  	(tm) =	ssettm $0x7FFFFFFF  }
tec
execute0_lowered:
.L_overlay_start_1:
0x0: {  	(tag) =	ssettag $0x1  }
0x1: {  	s0 =	rddreg [dreg:$0x0]  }
0x2: {  	s1 =	rddreg [dreg:$0x1]  }
0x3: {  	s15 =	rddreg [dreg:$0x2];
	s2 =	srdreg.scid  }
0x4: {  	s12 =	stileid.u32;
	s3 =	rddreg [dreg:$0x3];
	s4 =	simm.s32 $0x0  }
0x5: {  	s19 =	simm.s32 $0x80;
	s21 =	simm.s32 $0x10800;
	s22 =	simm.s32 $0x4800  }
0x6: {  	s28 =	simm.s32 $0x8800;
	s29 =	simm.s32 $0x5;
	s31 =	simm.s32 $0x3  }
0x7: {  	s2 =	sand.u32 $0x1, s2;
	s5 =	sshll.u32 s12, $0x1;
	[smem:$0x7FF] =	sst s4  }
0x8: {  	s23 =	sadd.s32 $0x400, s0;
	s25 =	sshll.u32 s12, $0xE;
	s9 =	sadd.s32 $0x800, s15  }
0x9: {  	s10 =	sadd.s32 $0x1000, s15;
	s11 =	sadd.s32 $0x1800, s15;
	s30 =	smul.u32 $0xC800, s12  }
0xa: {  	s12 =	sadd.s32 $0x2000, s15;
	s13 =	sadd.s32 $0x2800, s15;
	s14 =	sadd.s32 $0x3000, s15  }
0xb: {  	s15 =	sadd.s32 $0x3800, s15;
	s5 =	sor.u32 s2, s5;
	s7 =	ssub.s32 $0x2, s2  }
0xc: {  	_ =	strace $0x80000047;
	s2 =	smul.u32 $0x6400, s2;
	s24 =	sshrl.u32 s7, $0x1  }
0xd: {  	[dreg:$0x5] =	wrdreg s23;
	s6 =	smul.u32 $0x6400, s5;
	s0 =	ssub.s32 s7, s24  }
.Ltmp0:
0xe: {  	s17 =	sadd.s32 s2, s30;
	s24 =	simm.s32 $0x14800;
	(pc) =	sbr.rel .LBB2_1-.Ltmp0, $4  }
0xf: {  	s2 =	simm.s32 $0x0;
	s8 =	sshrl.u32 s6, $0x3;
	s26 =	sadd.s32 $0x6000, s6  }
0x10: {  	s0 =	smax.u32 s0, $0x1;
	s5 =	sadd.s32 s23, s8;
	[dreg:$0x7] =	wrdreg s26  }
0x11: {  	s8 =	sadd.s32 s25, s3;
	[dreg:$0x8] =	wrdreg s0;
	s23 =	simm.s32 $0x1  }
0x12: {  	s25 =	simm.s32 $0x2;
	s26 =	simm.s32 $0x4;
	[dreg:$0x6] =	wrdreg s5  }
.LBB2_6:
0x13: {  	_ =	swait.ge [sflag:s31], $0x4000  }
0x14: {  	[sflag:s31] =	ssyncset.done $0x0  }
0x15: {  	[sflag:s31] =	ssyncadd.s32 $0xFFFFC000  }
0x16: {  	_ =	swait.ge [sflag:s31], $0x4000  }
0x17: {  	[sflag:s31] =	ssyncset.done $0x0  }
0x18: {  	[sflag:s31] =	ssyncadd.s32 $0xFFFFC000  }
0x19: {  	_ =	swait.ge [sflag:s31], $0x4000  }
0x1a: {  	[sflag:s31] =	ssyncset.done $0x0  }
0x1b: {  	[sflag:s31] =	ssyncadd.s32 $0xFFFFC000  }
0x1c: {  	_ =	swait.ge [sflag:s29], $0x800  }
0x1d: {  	s2 =	rddreg [dreg:$0x9]  }
0x1e: {  	s0 =	rddreg [dreg:$0x8];
	s2 =	sadd.s32 $0x1, s2  }
0x1f: {  	p0 =	sne.s32 s2, s0  }
.Ltmp1:
0x20: {  	_ = 	snop;
	(pc) =	sbr.rel @!p0 .LBB2_7-.Ltmp1, $3  }
0x21: {  	_ =	sdelay $0x1  }
0x22: {  	[sflag:s29] =	ssyncset.done $0x0  }
0x23: {  	[sflag:s29] =	ssyncadd.s32 $0xFFFFF800  }
.LBB2_1:
0x24: {  	[dreg:$0x9] =	wrdreg s2  }
0x25: {  	s0 =	rddreg [dreg:$0x6];
	s20 =	simm.s32 $0x7  }
0x26: {  	[tilespmem:s4], [sflag:$0x7] =	stream.linear.gather [hbm4b:s0+s4], $0x400, $0x38;
	[tilespmem:$0x1C800] =	vst v63  }
0x27: {  	_ =	swait.ge [sflag:s20], $0x400  }
.Ltmp2:
0x28: {  	[sflag:s20] =	ssyncset.done $0x0;
	(pc) =	sbr.rel .LBB2_2-.Ltmp2, $4  }
0x29: {  	s30 =	simm.s32 $0x800;
	[sflag:s20] =	ssyncadd.s32 $0xFFFFFC00  }
0x2a: {  	[tilespmem:s30], [sflag:$0x1] =	stream.indirect.gather [hbm4b:s1+s19], $0x80, s4, s19, $0xb8;
	[tilespmem:$0x1C800] =	vst v63  }
0x2b: {  	s6 =	simm.s32 $0x1;
	s16 =	simm.s32 $0x0  }
0x2c: {  	[tilespmem:s21], [sflag:$0x2] =	stream.indirect.gather [hbm4b:s1+s19], $0x80, s19, s19, $0xb8;
	[tilespmem:$0x1C800] =	vst v63  }
.LBB2_4:
0x2d: {  	s3 =	smov.u32 s16;
	_ =	swait.ge [sflag:s31], $0x4000;
	p1 =	por $0x0, $0x0  }
0x2e: {  	s5 =	rddreg [dreg:$0x7];
	s3 =	simm.s32 @p0 $0x6000;
	[sflag:s31] =	ssyncset.done $0x0  }
0x2f: {  	s0 =	smov.u32 @p0 s5;
	[sflag:s31] =	ssyncadd.s32 $0xFFFFC000;
	s30 =	sand.u32 $0x400, s3  }
.LBB2_5:
0x30: {  	s3 =	sadd.s32 $0x100, s30  }
0x31: {  	[tilespmem:s22], [sflag:$0x1] =	stream.indirect.gather [hbm4b:s1+s19], $0x80, s3, s19, $0xb8;
	[tilespmem:$0x1C800] =	vst v63  }
0x32: {  	_ =	swait.ge [sflag:s23], $0x4000  }
0x33: {  	[sflag:s23] =	ssyncset.done $0x0  }
0x34: {  	[sflag:s23] =	ssyncadd.s32 $0xFFFFC000  }
0x35: {  	s0 =	sshll.u32 s0, $0x4;
	s7 =	rddreg [dreg:$0x2]  }
0x36: {  	s5 =	simm.s32 $0x800;
	s3 =	sadd.s32 s7, s0  }
0x37: {  	[hbm4b:s3+s4] =	stream.linear.scatter [tilespmem:s5], [sflag:$0x3], $0x4000, $0x38;
	[tilespmem:$0x1C800] =	vst v63  }
0x38: {  	s20 =	sadd.s32 $0x180, s30  }
0x39: {  	[tilespmem:s24], [sflag:$0x2] =	stream.indirect.gather [hbm4b:s1+s19], $0x80, s20, s19, $0xb8;
	[tilespmem:$0x1C800] =	vst v63  }
0x3a: {  	_ =	swait.ge [sflag:s25], $0x4000  }
0x3b: {  	[sflag:s25] =	ssyncset.done $0x0  }
0x3c: {  	s3 =	simm.s32 @!p1 $0x5;
	[sflag:s25] =	ssyncadd.s32 $0xFFFFC000  }
0x3d: {  	_ =	swait.ge @!p1 [sflag:s3], $0x800  }
0x3e: {  	[sflag:s3] =	ssyncset.done @!p1 $0x0  }
0x3f: {  	[sflag:s3] =	ssyncadd.s32 @!p1 $0xFFFFF800  }
0x40: {  	[spmem:s8] =	stream.linear.scatter [tilespmem:s21], [sflag:$0x4], $0x4000, $0x38;
	[tilespmem:$0x1C800] =	vst v63  }
0x41: {  	s0 =	sand.u32 $0x1FFFC000, s0;
	s5 =	stileid.u32;
	_ =	swait.ge [sflag:s26], $0x4000  }
0x42: {  	s7 =	sadd.s32 s0, s9;
	s3 =	sshll.u32 s5, $0x6;
	[sflag:s26] =	ssyncset.done $0x0  }
0x43: {  	s20 =	sshrl.u32 s8, $0x3;
	s3 =	sor.u32 $0x1C05, s3;
	[sflag:s26] =	ssyncadd.s32 $0xFFFFC000  }
0x44: {  	[hbm:s7], [sflag:s3] =	dma.local [spmem:s20], $0x800  }
0x45: {  	s7 =	simm.s32 @!p1 $0x3  }
0x46: {  	_ =	swait.ge @!p1 [sflag:s7], $0x4000  }
0x47: {  	[sflag:s7] =	ssyncset.done @!p1 $0x0  }
0x48: {  	s5 =	sadd.s32 $0x200, s30;
	[sflag:s7] =	ssyncadd.s32 @!p1 $0xFFFFC000  }
0x49: {  	[tilespmem:s28], [sflag:$0x1] =	stream.indirect.gather [hbm4b:s1+s19], $0x80, s5, s19, $0xb8;
	[tilespmem:$0x1C800] =	vst v63  }
0x4a: {  	_ =	swait.ge [sflag:s23], $0x4000  }
0x4b: {  	[sflag:s23] =	ssyncset.done $0x0  }
0x4c: {  	s5 =	sadd.s32 s0, s10;
	[sflag:s23] =	ssyncadd.s32 $0xFFFFC000  }
0x4d: {  	[hbm4b:s5+s4] =	stream.linear.scatter [tilespmem:s22], [sflag:$0x3], $0x4000, $0x38;
	[tilespmem:$0x1C800] =	vst v63  }
0x4e: {  	s5 =	sadd.s32 $0x280, s30  }
0x4f: {  	[tilespmem:s21], [sflag:$0x2] =	stream.indirect.gather [hbm4b:s1+s19], $0x80, s5, s19, $0xb8;
	[tilespmem:$0x1C800] =	vst v63  }
0x50: {  	_ =	swait.ge [sflag:s25], $0x4000  }
0x51: {  	[sflag:s25] =	ssyncset.done $0x0  }
0x52: {  	[sflag:s25] =	ssyncadd.s32 $0xFFFFC000  }
0x53: {  	_ =	swait.ge [sflag:s29], $0x800  }
0x54: {  	[sflag:s29] =	ssyncset.done $0x0  }
0x55: {  	[sflag:s29] =	ssyncadd.s32 $0xFFFFF800  }
0x56: {  	[spmem:s8] =	stream.linear.scatter [tilespmem:s24], [sflag:$0x4], $0x4000, $0x38;
	[tilespmem:$0x1C800] =	vst v63  }
0x57: {  	_ =	swait.ge [sflag:s26], $0x4000  }
0x58: {  	[sflag:s26] =	ssyncset.done $0x0  }
0x59: {  	s5 =	sadd.s32 s0, s11;
	[sflag:s26] =	ssyncadd.s32 $0xFFFFC000  }
0x5a: {  	[hbm:s5], [sflag:s3] =	dma.local [spmem:s20], $0x800  }
0x5b: {  	_ =	swait.ge @!p1 [sflag:s7], $0x4000  }
0x5c: {  	[sflag:s7] =	ssyncset.done @!p1 $0x0  }
0x5d: {  	s5 =	sadd.s32 $0x300, s30;
	[sflag:s7] =	ssyncadd.s32 @!p1 $0xFFFFC000;
	s7 =	simm.s32 $0xC800  }
0x5e: {  	[tilespmem:s7], [sflag:$0x1] =	stream.indirect.gather [hbm4b:s1+s19], $0x80, s5, s19, $0xb8;
	[tilespmem:$0x1C800] =	vst v63  }
0x5f: {  	_ =	swait.ge [sflag:s23], $0x4000  }
0x60: {  	[sflag:s23] =	ssyncset.done $0x0  }
0x61: {  	s7 =	sadd.s32 s0, s12;
	[sflag:s23] =	ssyncadd.s32 $0xFFFFC000  }
0x62: {  	[hbm4b:s7+s4] =	stream.linear.scatter [tilespmem:s28], [sflag:$0x3], $0x4000, $0x38;
	[tilespmem:$0x1C800] =	vst v63  }
0x63: {  	s7 =	sadd.s32 $0x380, s30  }
0x64: {  	[tilespmem:s24], [sflag:$0x2] =	stream.indirect.gather [hbm4b:s1+s19], $0x80, s7, s19, $0xb8;
	[tilespmem:$0x1C800] =	vst v63  }
0x65: {  	_ =	swait.ge [sflag:s25], $0x4000  }
0x66: {  	[sflag:s25] =	ssyncset.done $0x0  }
0x67: {  	[sflag:s25] =	ssyncadd.s32 $0xFFFFC000  }
0x68: {  	_ =	swait.ge [sflag:s29], $0x800  }
0x69: {  	[sflag:s29] =	ssyncset.done $0x0  }
0x6a: {  	[sflag:s29] =	ssyncadd.s32 $0xFFFFF800  }
0x6b: {  	[spmem:s8] =	stream.linear.scatter [tilespmem:s21], [sflag:$0x4], $0x4000, $0x38;
	[tilespmem:$0x1C800] =	vst v63  }
0x6c: {  	_ =	swait.ge [sflag:s26], $0x4000  }
0x6d: {  	[sflag:s26] =	ssyncset.done $0x0  }
0x6e: {  	s30 =	sadd.s32 s0, s13;
	[sflag:s26] =	ssyncadd.s32 $0xFFFFC000  }
0x6f: {  	[hbm:s30], [sflag:s3] =	dma.local [spmem:s20], $0x800  }
0x70: {  	_ =	swait.ge [sflag:s31], $0x4000  }
0x71: {  	[sflag:s31] =	ssyncset.done $0x0  }
0x72: {  	s5 =	simm.s32 @p0 $0x1;
	[sflag:s31] =	ssyncadd.s32 $0xFFFFC000  }
0x73: {  	_ =	swait.ge @p0 [sflag:s5], $0x4000  }
0x74: {  	s7 =	simm.s32 @p0 $0x0;
	[sflag:s5] =	ssyncset.done @p0 $0x0  }
0x75: {  	s30 =	simm.s32 @p0 $0xC800;
	[sflag:s5] =	ssyncadd.s32 @p0 $0xFFFFC000;
	s5 =	sadd.s32 @p0 s0, s14  }
0x76: {  	[hbm4b:s5+s7] =	stream.linear.scatter @p0 [tilespmem:s30], [sflag:$0x3], $0x4000, $0x38;
	[tilespmem:$0x1C800] =	vst v63  }
0x77: {  	s5 =	simm.s32 @!p0 $0x6  }
0x78: {  	_ =	swait.ge @!p0 [sflag:s5], $0x400  }
0x79: {  	[sflag:s5] =	ssyncset.done @!p0 $0x0  }
0x7a: {  	s7 =	simm.s32 @!p0 $0x800;
	[sflag:s5] =	ssyncadd.s32 @!p0 $0xFFFFFC00;
	s5 =	simm.s32 @!p0 $0x80  }
0x7b: {  	[tilespmem:s7], [sflag:$0x1] =	stream.indirect.gather @!p0 [hbm4b:s1+s5], $0x80, s18, s5, $0xb8;
	[tilespmem:$0x1C800] =	vst v63  }
0x7c: {  	s7 =	simm.s32 @!p0 $0x1  }
0x7d: {  	_ =	swait.ge @!p0 [sflag:s7], $0x4000  }
0x7e: {  	[sflag:s7] =	ssyncset.done @!p0 $0x0  }
0x7f: {  	s30 =	simm.s32 @!p0 $0xC800;
	[sflag:s7] =	ssyncadd.s32 @!p0 $0xFFFFC000;
	s7 =	sadd.s32 @!p0 s0, s14  }
0x80: {  	[hbm4b:s7+s2] =	stream.linear.scatter @!p0 [tilespmem:s30], [sflag:$0x3], $0x4000, $0x38;
	[tilespmem:$0x1C800] =	vst v63  }
0x81: {  	s2 =	sor.u32 @!p0 $0x80, s18;
	s7 =	simm.s32 @!p0 $0x10800  }
0x82: {  	[tilespmem:s7], [sflag:$0x2] =	stream.indirect.gather @!p0 [hbm4b:s1+s5], $0x80, s2, s5, $0xb8;
	[tilespmem:$0x1C800] =	vst v63  }
0x83: {  	_ =	swait.ge [sflag:s25], $0x4000  }
0x84: {  	[sflag:s25] =	ssyncset.done $0x0  }
0x85: {  	[sflag:s25] =	ssyncadd.s32 $0xFFFFC000  }
0x86: {  	_ =	swait.ge [sflag:s29], $0x800  }
0x87: {  	s16 =	sadd.s32 $0x400, s16;
	[sflag:s29] =	ssyncset.done $0x0  }
0x88: {  	p0 =	sne.s32 s16, $0x6400;
	[sflag:s29] =	ssyncadd.s32 $0xFFFFF800  }
0x89: {  	[spmem:s8] =	stream.linear.scatter [tilespmem:s24], [sflag:$0x4], $0x4000, $0x38;
	[tilespmem:$0x1C800] =	vst v63  }
.Ltmp3:
0x8a: {  	_ = 	snop;
	(pc) =	sbr.rel @!p0 .LBB2_6-.Ltmp3, $4  }
0x8b: {  	_ =	swait.ge [sflag:s26], $0x4000  }
0x8c: {  	[sflag:s26] =	ssyncset.done $0x0  }
0x8d: {  	s6 =	sadd.s32 $0x1, s6;
	s0 =	sadd.s32 s0, s15;
	[sflag:s26] =	ssyncadd.s32 $0xFFFFC000  }
0x8e: {  	[hbm:s0], [sflag:s3] =	dma.local [spmem:s20], $0x800  }
.LBB2_2:
0x8f: {  	p0 =	seq.s32 s16, $0x6000  }
0x90: {  	p1 =	seq.s32 @!p0 s16, $0x0  }
0x91: {  	p1 =	por p0, !p1  }
.Ltmp4:
0x92: {  	s0 =	sadd.s32 @!p0 s16, s17;
	(pc) =	sbr.rel @p1 .LBB2_4-.Ltmp4, $4  }
0x93: {  	s3 =	sand.u32 $0x1, s6;
	s2 =	sadd.s32 @!p0 $0x400, s0  }
0x94: {  	s18 =	sshll.u32 @!p0 s3, $0xA;
	s3 =	rddreg [dreg:$0x5];
	s2 =	sshrl.u32 @!p0 s2, $0x3  }
0x95: {  	s3 =	sadd.s32 @!p0 s3, s2;
	s2 =	simm.s32 @!p0 $0x0  }
0x96: {  	[tilespmem:s18], [sflag:$0x6] =	stream.linear.gather @!p0 [hbm4b:s3+s2], $0x400, $0x38;
	[tilespmem:$0x1C800] =	vst v63  }
.Ltmp5:
0x97: {  	(pc) =	sbr.rel .LBB2_5-.Ltmp5, $2  }
0x98: {  	_ =	sdelay $0x2  }
0x99: {  	p1 =	por @!p0 $0x1, $0x1;
	s30 =	simm.s32 @!p0 $0x0  }
.LBB2_7:
0x9a: {  	_ =	sfence.sel $0x180000  }
0x9b: {  	[bflag:$0x0] =	sbarrier.arrive $0xFFFF  }
0x9c: {  	_ =	strace $0x90000047  }
0x9d: {  	s0 =	stileid.u32;
	[bflag:$0x2] =	sbarrier.arrive $0xFFFF  }
0x9e: {  	p0 =	sne.s32 s0, $0x0;
	s0 =	rddreg [dreg:$0x4]  }
0x9f: {  	s0 =	sadd.s32 @!p0 $0x100000, s0  }
0xa0: {  	[sflag:s0] =	ssyncadd.tile.s32 @!p0 $0x1;
	_ =	shalt  }
.Lfunc_end2:
_tile_overlayer_lowered:
.L_overlay_start_2:
0xa1: {  	(tag) =	ssettag $0x2  }
0xa2: {  	s0 =	rddreg [dreg:$0x0];
	s2 =	stileid.u32  }
0xa3: {  	s1 =	rddreg [dreg:$0x1];
	p0 =	sne.s32 s2, $0x0  }
0xa4: {  	s3 =	rddreg [dreg:$0x2];
	[bflag:$0x3] =	sbarrier.arrive $0xFFFF;
	s2 =	simm.s32 @!p0 $0x1C07  }
0xa5: {  	[timem:s3], [sflag:s2] =	dma.local @!p0 [hbm:s0], s1  }
0xa6: {  	s0 =	simm.s32 @!p0 $0x7  }
0xa7: {  	_ =	swait.ge @!p0 [sflag:s0], s1  }
0xa8: {  	s1 =	ssub.s32 @!p0 $0x0, s1;
	[sflag:s0] =	ssyncset.done @!p0 $0x0  }
0xa9: {  	[sflag:s0] =	ssyncadd.s32 @!p0 s1  }
0xaa: {  	[bflag:$0x3] =	sbarrier.arrive $0xFFFF  }
0xab: {  	_ =	shalt  }

</sc_bundles>
